<compile_context>
chip_gen: v7x
topology: tpu7x:2x2x1
jax: 0.10.2.dev20260603
libtpu: 0.0.44.dev20260713+nightly
codegen_flags: <defaults>
</compile_context>

<pallas_src>
import functools

import jax
import jax.numpy as jnp
from jax import lax
from jax.experimental import pallas as pl
from jax.experimental.pallas import tpu as pltpu
from jax.experimental.pallas import tpu_sc as plsc

_L = 8192
_E = 1024
_NC = 2
_NS = 16
_NW = _NC * _NS
_ROWS_PER_W = _L // _NW
_CHUNKS = (56, 56, 56, 56, 32)
_BUFROWS = max(_CHUNKS)
_NCHUNK = len(_CHUNKS)
_OFFS = tuple(sum(_CHUNKS[:i]) for i in range(_NCHUNK))


@functools.partial(
    pl.kernel,
    out_type=jax.ShapeDtypeStruct((_L, 1, _E), jnp.float32),
    mesh=plsc.VectorSubcoreMesh(core_axis_name="c", subcore_axis_name="s"),
    scratch_types=[
        pltpu.VMEM((2, _BUFROWS, _E), jnp.float32),
        pltpu.SemaphoreType.DMA((2,)),
        pltpu.SemaphoreType.DMA((2,)),
    ],
    compiler_params=pltpu.CompilerParams(use_tc_tiling_on_sc=True),
)
def _copy_rows(table_hbm, out_hbm, buf, gsem, ssem):
    wid = lax.axis_index("s") * _NC + lax.axis_index("c")
    base = wid * _ROWS_PER_W

    def rows(c):
        return pl.ds(base + _OFFS[c], _CHUNKS[c])

    def bufv(b, c):
        return buf.at[b, pl.ds(0, _CHUNKS[c])]

    gathers = [None] * _NCHUNK
    scatters = [None] * _NCHUNK
    gathers[0] = pltpu.async_copy(table_hbm.at[rows(0)], bufv(0, 0), gsem.at[0])
    for c in range(_NCHUNK):
        b = c % 2
        if c + 1 < _NCHUNK:
            b2 = (c + 1) % 2
            if c >= 1:
                scatters[c - 1].wait()
            gathers[c + 1] = pltpu.async_copy(
                table_hbm.at[rows(c + 1)], bufv(b2, c + 1), gsem.at[b2]
            )
        gathers[c].wait()
        scatters[c] = pltpu.async_copy(
            bufv(b, c), out_hbm.at[rows(c), 0], ssem.at[b]
        )
    scatters[_NCHUNK - 2].wait()
    scatters[_NCHUNK - 1].wait()


def kernel(x, table):
    del x
    return _copy_rows(table)

# --- scband reference (transcript-rebuilt; emitter-appended) ---
"""Pipeline reference for scband-position-embedding-learned-5712306503979 (READ-ONLY COPY).

The authoritative reference and input builder live on the scoring server;
editing this copy changes nothing except your own understanding.
"""

import jax, jax.numpy as jnp
import numpy as np


def setup_inputs(seed: int = 0) -> dict:
    key = jax.random.key(seed)
    kx, kw = jax.random.split(key)
    # forward input x: [L, B, E] = [seq_len, batch, d_model]
    x = jax.random.normal(kx, (8192, 4, 1024), dtype=jnp.float32)
    # learned position embedding table: [max_len, embed_dim].
    # PyTorch reset_parameters applies nn.init.uniform_ to the FULL weight,
    # overwriting the padding_idx-zeroed row, so row 0 is uniform too.
    table = jax.random.uniform(kw, (8192, 1024), dtype=jnp.float32)
    return {"x": x, "table": table}


def reference(x, table):
    l = x.shape[0]
    idx = jnp.arange(l)
    pos = jnp.take(table, idx, axis=0)  # [L, embed_dim]
    pos = pos[:, None, :]               # unsqueeze(1) -> [L, 1, embed_dim]
    return pos

if __name__ == "__main__":
    import jax
    _d = setup_inputs()
    print(jax.jit(kernel)(*tuple(_d.values())))

</pallas_src>

<mosaic_0001>
#map = affine_map<(d0, d1) -> (0, 0)>
#map1 = affine_map<(d0, d1) -> (0, 0, 0)>
module attributes {stable_mosaic.version = 14 : i64} {
  func.func @_copy_rows(%arg0: i32, %arg1: i32, %arg2: memref<8192x1024xf32, #tpu.memory_space<hbm>>, %arg3: memref<8192x1x1024xf32, #tpu.memory_space<hbm>>, %arg4: memref<2x56x1024xf32, #tpu.memory_space<vmem>>, %arg5: memref<2x!tpu.dma_semaphore, #tpu.memory_space<semaphore_mem>>, %arg6: memref<2x!tpu.dma_semaphore, #tpu.memory_space<semaphore_mem>>) attributes {dimension_semantics = [#tpu.dimension_semantics<core_parallel>, #tpu.dimension_semantics<subcore_parallel>], iteration_bounds = array<i64: 2, 16>, scalar_prefetch = 0 : i64, scratch_operands = 3 : i64, tpu.core_type = #tpu.core_type<sc_vector_subcore>, window_params = [{transform_indices = #map}, {transform_indices = #map1}]} {
    %mul3A = arith.constant 2 : i32
    %mul3A_0 = arith.muli %arg1, %mul3A : i32
    %add3A = arith.addi %mul3A_0, %arg0 : i32
    %mul3A_1 = arith.constant 256 : i32
    %mul3A_2 = arith.muli %add3A, %mul3A_1 : i32
    %add3A_3 = arith.constant 0 : i32
    %add3A_4 = arith.addi %mul3A_2, %add3A_3 : i32
    %dma_start3A = arith.constant 0 : i32
    %dma_start3A_5 = arith.constant 0 : i32
    %dma_start3A_6 = arith.constant 0 : i32
    %dma_start3A_7 = arith.constant 0 : i32
    %dma_start3A_8 = tpu.memref_slice %arg4[%dma_start3A, %dma_start3A_6, %dma_start3A_7] : memref<2x56x1024xf32, #tpu.memory_space<vmem>> -> memref<1x56x1024xf32, #tpu.memory_space<vmem>>
    %dma_start3A_9 = tpu.memref_squeeze %dma_start3A_8 : memref<1x56x1024xf32, #tpu.memory_space<vmem>> -> memref<56x1024xf32, #tpu.memory_space<vmem>>
    %dma_start3A_10 = arith.constant 0 : i32
    %dma_start3A_11 = tpu.memref_slice %arg2[%add3A_4, %dma_start3A_10] : memref<8192x1024xf32, #tpu.memory_space<hbm>> -> memref<56x1024xf32, #tpu.memory_space<hbm>>
    %dma_start3A_12 = tpu.memref_slice %arg5[%dma_start3A_5] : memref<2x!tpu.dma_semaphore, #tpu.memory_space<semaphore_mem>> -> memref<1x!tpu.dma_semaphore, #tpu.memory_space<semaphore_mem>>
    %dma_start3A_13 = tpu.memref_squeeze %dma_start3A_12 : memref<1x!tpu.dma_semaphore, #tpu.memory_space<semaphore_mem>> -> memref<!tpu.dma_semaphore, #tpu.memory_space<semaphore_mem>>
    %dma_start3A_14 = arith.constant 0 : i32
    %dma_start3A_15 = arith.constant 0 : i32
    %dma_start3A_16 = tpu.memref_slice %arg4[%dma_start3A, %dma_start3A_14, %dma_start3A_15] : memref<2x56x1024xf32, #tpu.memory_space<vmem>> -> memref<1x56x1024xf32, #tpu.memory_space<vmem>>
    %dma_start3A_17 = tpu.memref_squeeze %dma_start3A_16 : memref<1x56x1024xf32, #tpu.memory_space<vmem>> -> memref<56x1024xf32, #tpu.memory_space<vmem>>
    %dma_start3A_18 = arith.constant 0 : i32
    %dma_start3A_19 = tpu.memref_slice %arg2[%add3A_4, %dma_start3A_18] : memref<8192x1024xf32, #tpu.memory_space<hbm>> -> memref<56x1024xf32, #tpu.memory_space<hbm>>
    tpu.enqueue_dma source(%dma_start3A_19 : memref<56x1024xf32, #tpu.memory_space<hbm>>) target(%dma_start3A_17 : memref<56x1024xf32, #tpu.memory_space<vmem>>) target_semaphore(%dma_start3A_13 : memref<!tpu.dma_semaphore, #tpu.memory_space<semaphore_mem>>)
    %add3A_20 = arith.constant 56 : i32
    %add3A_21 = arith.addi %mul3A_2, %add3A_20 : i32
    %dma_start3A_22 = arith.constant 1 : i32
    %dma_start3A_23 = arith.constant 1 : i32
    %dma_start3A_24 = arith.constant 0 : i32
    %dma_start3A_25 = arith.constant 0 : i32
    %dma_start3A_26 = tpu.memref_slice %arg4[%dma_start3A_22, %dma_start3A_24, %dma_start3A_25] : memref<2x56x1024xf32, #tpu.memory_space<vmem>> -> memref<1x56x1024xf32, #tpu.memory_space<vmem>>
    %dma_start3A_27 = tpu.memref_squeeze %dma_start3A_26 : memref<1x56x1024xf32, #tpu.memory_space<vmem>> -> memref<56x1024xf32, #tpu.memory_space<vmem>>
    %dma_start3A_28 = arith.constant 0 : i32
    %dma_start3A_29 = tpu.memref_slice %arg2[%add3A_21, %dma_start3A_28] : memref<8192x1024xf32, #tpu.memory_space<hbm>> -> memref<56x1024xf32, #tpu.memory_space<hbm>>
    %dma_start3A_30 = tpu.memref_slice %arg5[%dma_start3A_23] : memref<2x!tpu.dma_semaphore, #tpu.memory_space<semaphore_mem>> -> memref<1x!tpu.dma_semaphore, #tpu.memory_space<semaphore_mem>>
    %dma_start3A_31 = tpu.memref_squeeze %dma_start3A_30 : memref<1x!tpu.dma_semaphore, #tpu.memory_space<semaphore_mem>> -> memref<!tpu.dma_semaphore, #tpu.memory_space<semaphore_mem>>
    %dma_start3A_32 = arith.constant 0 : i32
    %dma_start3A_33 = arith.constant 0 : i32
    %dma_start3A_34 = tpu.memref_slice %arg4[%dma_start3A_22, %dma_start3A_32, %dma_start3A_33] : memref<2x56x1024xf32, #tpu.memory_space<vmem>> -> memref<1x56x1024xf32, #tpu.memory_space<vmem>>
    %dma_start3A_35 = tpu.memref_squeeze %dma_start3A_34 : memref<1x56x1024xf32, #tpu.memory_space<vmem>> -> memref<56x1024xf32, #tpu.memory_space<vmem>>
    %dma_start3A_36 = arith.constant 0 : i32
    %dma_start3A_37 = tpu.memref_slice %arg2[%add3A_21, %dma_start3A_36] : memref<8192x1024xf32, #tpu.memory_space<hbm>> -> memref<56x1024xf32, #tpu.memory_space<hbm>>
    tpu.enqueue_dma source(%dma_start3A_37 : memref<56x1024xf32, #tpu.memory_space<hbm>>) target(%dma_start3A_35 : memref<56x1024xf32, #tpu.memory_space<vmem>>) target_semaphore(%dma_start3A_31 : memref<!tpu.dma_semaphore, #tpu.memory_space<semaphore_mem>>)
    %dma_wait3A = arith.constant 0 : i32
    %dma_wait3A_38 = arith.constant 0 : i32
    %dma_wait3A_39 = arith.constant 0 : i32
    %dma_wait3A_40 = arith.constant 0 : i32
    %dma_wait3A_41 = tpu.memref_slice %arg4[%dma_wait3A, %dma_wait3A_39, %dma_wait3A_40] : memref<2x56x1024xf32, #tpu.memory_space<vmem>> -> memref<1x56x1024xf32, #tpu.memory_space<vmem>>
    %dma_wait3A_42 = tpu.memref_squeeze %dma_wait3A_41 : memref<1x56x1024xf32, #tpu.memory_space<vmem>> -> memref<56x1024xf32, #tpu.memory_space<vmem>>
    %dma_wait3A_43 = arith.constant 0 : i32
    %dma_wait3A_44 = tpu.memref_slice %arg2[%add3A_4, %dma_wait3A_43] : memref<8192x1024xf32, #tpu.memory_space<hbm>> -> memref<56x1024xf32, #tpu.memory_space<hbm>>
    %dma_wait3A_45 = tpu.memref_slice %arg5[%dma_wait3A_38] : memref<2x!tpu.dma_semaphore, #tpu.memory_space<semaphore_mem>> -> memref<1x!tpu.dma_semaphore, #tpu.memory_space<semaphore_mem>>
    %dma_wait3A_46 = tpu.memref_squeeze %dma_wait3A_45 : memref<1x!tpu.dma_semaphore, #tpu.memory_space<semaphore_mem>> -> memref<!tpu.dma_semaphore, #tpu.memory_space<semaphore_mem>>
    %dma_wait3A_47 = arith.constant 0 : i32
    %dma_wait3A_48 = arith.constant 0 : i32
    %dma_wait3A_49 = tpu.memref_slice %arg4[%dma_wait3A, %dma_wait3A_47, %dma_wait3A_48] : memref<2x56x1024xf32, #tpu.memory_space<vmem>> -> memref<1x56x1024xf32, #tpu.memory_space<vmem>>
    %dma_wait3A_50 = tpu.memref_squeeze %dma_wait3A_49 : memref<1x56x1024xf32, #tpu.memory_space<vmem>> -> memref<56x1024xf32, #tpu.memory_space<vmem>>
    %dma_wait3A_51 = arith.constant 0 : i32
    %dma_wait3A_52 = tpu.memref_slice %arg2[%add3A_4, %dma_wait3A_51] : memref<8192x1024xf32, #tpu.memory_space<hbm>> -> memref<56x1024xf32, #tpu.memory_space<hbm>>
    tpu.wait_dma2 semaphore(%dma_wait3A_46 : memref<!tpu.dma_semaphore, #tpu.memory_space<semaphore_mem>>) src(%dma_wait3A_52 : memref<56x1024xf32, #tpu.memory_space<hbm>>) dst(%dma_wait3A_50 : memref<56x1024xf32, #tpu.memory_space<vmem>>)
    %add3A_53 = arith.constant 0 : i32
    %add3A_54 = arith.addi %mul3A_2, %add3A_53 : i32
    %dma_start3A_55 = arith.constant 0 : i32
    %dma_start3A_56 = arith.constant 0 : i32
    %dma_start3A_57 = arith.constant 0 : i32
    %dma_start3A_58 = arith.constant 0 : i32
    %dma_start3A_59 = arith.constant 0 : i32
    %dma_start3A_60 = tpu.memref_slice %arg4[%dma_start3A_55, %dma_start3A_58, %dma_start3A_59] : memref<2x56x1024xf32, #tpu.memory_space<vmem>> -> memref<1x56x1024xf32, #tpu.memory_space<vmem>>
    %dma_start3A_61 = tpu.memref_squeeze %dma_start3A_60 : memref<1x56x1024xf32, #tpu.memory_space<vmem>> -> memref<56x1024xf32, #tpu.memory_space<vmem>>
    %dma_start3A_62 = arith.constant 0 : i32
    %dma_start3A_63 = tpu.memref_slice %arg3[%add3A_54, %dma_start3A_56, %dma_start3A_62] : memref<8192x1x1024xf32, #tpu.memory_space<hbm>> -> memref<56x1x1024xf32, #tpu.memory_space<hbm>>
    %dma_start3A_64 = tpu.memref_squeeze %dma_start3A_63 : memref<56x1x1024xf32, #tpu.memory_space<hbm>> -> memref<56x1024xf32, #tpu.memory_space<hbm>>
    %dma_start3A_65 = tpu.memref_slice %arg6[%dma_start3A_57] : memref<2x!tpu.dma_semaphore, #tpu.memory_space<semaphore_mem>> -> memref<1x!tpu.dma_semaphore, #tpu.memory_space<semaphore_mem>>
    %dma_start3A_66 = tpu.memref_squeeze %dma_start3A_65 : memref<1x!tpu.dma_semaphore, #tpu.memory_space<semaphore_mem>> -> memref<!tpu.dma_semaphore, #tpu.memory_space<semaphore_mem>>
    %dma_start3A_67 = arith.constant 0 : i32
    %dma_start3A_68 = tpu.memref_slice %arg3[%add3A_54, %dma_start3A_56, %dma_start3A_67] : memref<8192x1x1024xf32, #tpu.memory_space<hbm>> -> memref<56x1x1024xf32, #tpu.memory_space<hbm>>
    %dma_start3A_69 = tpu.memref_squeeze %dma_start3A_68 : memref<56x1x1024xf32, #tpu.memory_space<hbm>> -> memref<56x1024xf32, #tpu.memory_space<hbm>>
    %dma_start3A_70 = arith.constant 0 : i32
    %dma_start3A_71 = arith.constant 0 : i32
    %dma_start3A_72 = tpu.memref_slice %arg4[%dma_start3A_55, %dma_start3A_70, %dma_start3A_71] : memref<2x56x1024xf32, #tpu.memory_space<vmem>> -> memref<1x56x1024xf32, #tpu.memory_space<vmem>>
    %dma_start3A_73 = tpu.memref_squeeze %dma_start3A_72 : memref<1x56x1024xf32, #tpu.memory_space<vmem>> -> memref<56x1024xf32, #tpu.memory_space<vmem>>
    tpu.enqueue_dma source(%dma_start3A_73 : memref<56x1024xf32, #tpu.memory_space<vmem>>) target(%dma_start3A_69 : memref<56x1024xf32, #tpu.memory_space<hbm>>) target_semaphore(%dma_start3A_66 : memref<!tpu.dma_semaphore, #tpu.memory_space<semaphore_mem>>)
    %dma_wait3A_74 = arith.constant 0 : i32
    %dma_wait3A_75 = arith.constant 0 : i32
    %dma_wait3A_76 = arith.constant 0 : i32
    %dma_wait3A_77 = arith.constant 0 : i32
    %dma_wait3A_78 = arith.constant 0 : i32
    %dma_wait3A_79 = tpu.memref_slice %arg4[%dma_wait3A_74, %dma_wait3A_77, %dma_wait3A_78] : memref<2x56x1024xf32, #tpu.memory_space<vmem>> -> memref<1x56x1024xf32, #tpu.memory_space<vmem>>
    %dma_wait3A_80 = tpu.memref_squeeze %dma_wait3A_79 : memref<1x56x1024xf32, #tpu.memory_space<vmem>> -> memref<56x1024xf32, #tpu.memory_space<vmem>>
    %dma_wait3A_81 = arith.constant 0 : i32
    %dma_wait3A_82 = tpu.memref_slice %arg3[%add3A_54, %dma_wait3A_75, %dma_wait3A_81] : memref<8192x1x1024xf32, #tpu.memory_space<hbm>> -> memref<56x1x1024xf32, #tpu.memory_space<hbm>>
    %dma_wait3A_83 = tpu.memref_squeeze %dma_wait3A_82 : memref<56x1x1024xf32, #tpu.memory_space<hbm>> -> memref<56x1024xf32, #tpu.memory_space<hbm>>
    %dma_wait3A_84 = tpu.memref_slice %arg6[%dma_wait3A_76] : memref<2x!tpu.dma_semaphore, #tpu.memory_space<semaphore_mem>> -> memref<1x!tpu.dma_semaphore, #tpu.memory_space<semaphore_mem>>
    %dma_wait3A_85 = tpu.memref_squeeze %dma_wait3A_84 : memref<1x!tpu.dma_semaphore, #tpu.memory_space<semaphore_mem>> -> memref<!tpu.dma_semaphore, #tpu.memory_space<semaphore_mem>>
    %dma_wait3A_86 = arith.constant 0 : i32
    %dma_wait3A_87 = tpu.memref_slice %arg3[%add3A_54, %dma_wait3A_75, %dma_wait3A_86] : memref<8192x1x1024xf32, #tpu.memory_space<hbm>> -> memref<56x1x1024xf32, #tpu.memory_space<hbm>>
    %dma_wait3A_88 = tpu.memref_squeeze %dma_wait3A_87 : memref<56x1x1024xf32, #tpu.memory_space<hbm>> -> memref<56x1024xf32, #tpu.memory_space<hbm>>
    %dma_wait3A_89 = arith.constant 0 : i32
    %dma_wait3A_90 = arith.constant 0 : i32
    %dma_wait3A_91 = tpu.memref_slice %arg4[%dma_wait3A_74, %dma_wait3A_89, %dma_wait3A_90] : memref<2x56x1024xf32, #tpu.memory_space<vmem>> -> memref<1x56x1024xf32, #tpu.memory_space<vmem>>
    %dma_wait3A_92 = tpu.memref_squeeze %dma_wait3A_91 : memref<1x56x1024xf32, #tpu.memory_space<vmem>> -> memref<56x1024xf32, #tpu.memory_space<vmem>>
    tpu.wait_dma2 semaphore(%dma_wait3A_85 : memref<!tpu.dma_semaphore, #tpu.memory_space<semaphore_mem>>) src(%dma_wait3A_92 : memref<56x1024xf32, #tpu.memory_space<vmem>>) dst(%dma_wait3A_88 : memref<56x1024xf32, #tpu.memory_space<hbm>>)
    %add3A_93 = arith.constant 112 : i32
    %add3A_94 = arith.addi %mul3A_2, %add3A_93 : i32
    %dma_start3A_95 = arith.constant 0 : i32
    %dma_start3A_96 = arith.constant 0 : i32
    %dma_start3A_97 = arith.constant 0 : i32
    %dma_start3A_98 = arith.constant 0 : i32
    %dma_start3A_99 = tpu.memref_slice %arg4[%dma_start3A_95, %dma_start3A_97, %dma_start3A_98] : memref<2x56x1024xf32, #tpu.memory_space<vmem>> -> memref<1x56x1024xf32, #tpu.memory_space<vmem>>
    %dma_start3A_100 = tpu.memref_squeeze %dma_start3A_99 : memref<1x56x1024xf32, #tpu.memory_space<vmem>> -> memref<56x1024xf32, #tpu.memory_space<vmem>>
    %dma_start3A_101 = arith.constant 0 : i32
    %dma_start3A_102 = tpu.memref_slice %arg2[%add3A_94, %dma_start3A_101] : memref<8192x1024xf32, #tpu.memory_space<hbm>> -> memref<56x1024xf32, #tpu.memory_space<hbm>>
    %dma_start3A_103 = tpu.memref_slice %arg5[%dma_start3A_96] : memref<2x!tpu.dma_semaphore, #tpu.memory_space<semaphore_mem>> -> memref<1x!tpu.dma_semaphore, #tpu.memory_space<semaphore_mem>>
    %dma_start3A_104 = tpu.memref_squeeze %dma_start3A_103 : memref<1x!tpu.dma_semaphore, #tpu.memory_space<semaphore_mem>> -> memref<!tpu.dma_semaphore, #tpu.memory_space<semaphore_mem>>
    %dma_start3A_105 = arith.constant 0 : i32
    %dma_start3A_106 = arith.constant 0 : i32
    %dma_start3A_107 = tpu.memref_slice %arg4[%dma_start3A_95, %dma_start3A_105, %dma_start3A_106] : memref<2x56x1024xf32, #tpu.memory_space<vmem>> -> memref<1x56x1024xf32, #tpu.memory_space<vmem>>
    %dma_start3A_108 = tpu.memref_squeeze %dma_start3A_107 : memref<1x56x1024xf32, #tpu.memory_space<vmem>> -> memref<56x1024xf32, #tpu.memory_space<vmem>>
    %dma_start3A_109 = arith.constant 0 : i32
    %dma_start3A_110 = tpu.memref_slice %arg2[%add3A_94, %dma_start3A_109] : memref<8192x1024xf32, #tpu.memory_space<hbm>> -> memref<56x1024xf32, #tpu.memory_space<hbm>>
    tpu.enqueue_dma source(%dma_start3A_110 : memref<56x1024xf32, #tpu.memory_space<hbm>>) target(%dma_start3A_108 : memref<56x1024xf32, #tpu.memory_space<vmem>>) target_semaphore(%dma_start3A_104 : memref<!tpu.dma_semaphore, #tpu.memory_space<semaphore_mem>>)
    %dma_wait3A_111 = arith.constant 1 : i32
    %dma_wait3A_112 = arith.constant 1 : i32
    %dma_wait3A_113 = arith.constant 0 : i32
    %dma_wait3A_114 = arith.constant 0 : i32
    %dma_wait3A_115 = tpu.memref_slice %arg4[%dma_wait3A_111, %dma_wait3A_113, %dma_wait3A_114] : memref<2x56x1024xf32, #tpu.memory_space<vmem>> -> memref<1x56x1024xf32, #tpu.memory_space<vmem>>
    %dma_wait3A_116 = tpu.memref_squeeze %dma_wait3A_115 : memref<1x56x1024xf32, #tpu.memory_space<vmem>> -> memref<56x1024xf32, #tpu.memory_space<vmem>>
    %dma_wait3A_117 = arith.constant 0 : i32
    %dma_wait3A_118 = tpu.memref_slice %arg2[%add3A_21, %dma_wait3A_117] : memref<8192x1024xf32, #tpu.memory_space<hbm>> -> memref<56x1024xf32, #tpu.memory_space<hbm>>
    %dma_wait3A_119 = tpu.memref_slice %arg5[%dma_wait3A_112] : memref<2x!tpu.dma_semaphore, #tpu.memory_space<semaphore_mem>> -> memref<1x!tpu.dma_semaphore, #tpu.memory_space<semaphore_mem>>
    %dma_wait3A_120 = tpu.memref_squeeze %dma_wait3A_119 : memref<1x!tpu.dma_semaphore, #tpu.memory_space<semaphore_mem>> -> memref<!tpu.dma_semaphore, #tpu.memory_space<semaphore_mem>>
    %dma_wait3A_121 = arith.constant 0 : i32
    %dma_wait3A_122 = arith.constant 0 : i32
    %dma_wait3A_123 = tpu.memref_slice %arg4[%dma_wait3A_111, %dma_wait3A_121, %dma_wait3A_122] : memref<2x56x1024xf32, #tpu.memory_space<vmem>> -> memref<1x56x1024xf32, #tpu.memory_space<vmem>>
    %dma_wait3A_124 = tpu.memref_squeeze %dma_wait3A_123 : memref<1x56x1024xf32, #tpu.memory_space<vmem>> -> memref<56x1024xf32, #tpu.memory_space<vmem>>
    %dma_wait3A_125 = arith.constant 0 : i32
    %dma_wait3A_126 = tpu.memref_slice %arg2[%add3A_21, %dma_wait3A_125] : memref<8192x1024xf32, #tpu.memory_space<hbm>> -> memref<56x1024xf32, #tpu.memory_space<hbm>>
    tpu.wait_dma2 semaphore(%dma_wait3A_120 : memref<!tpu.dma_semaphore, #tpu.memory_space<semaphore_mem>>) src(%dma_wait3A_126 : memref<56x1024xf32, #tpu.memory_space<hbm>>) dst(%dma_wait3A_124 : memref<56x1024xf32, #tpu.memory_space<vmem>>)
    %add3A_127 = arith.constant 56 : i32
    %add3A_128 = arith.addi %mul3A_2, %add3A_127 : i32
    %dma_start3A_129 = arith.constant 1 : i32
    %dma_start3A_130 = arith.constant 0 : i32
    %dma_start3A_131 = arith.constant 1 : i32
    %dma_start3A_132 = arith.constant 0 : i32
    %dma_start3A_133 = arith.constant 0 : i32
    %dma_start3A_134 = tpu.memref_slice %arg4[%dma_start3A_129, %dma_start3A_132, %dma_start3A_133] : memref<2x56x1024xf32, #tpu.memory_space<vmem>> -> memref<1x56x1024xf32, #tpu.memory_space<vmem>>
    %dma_start3A_135 = tpu.memref_squeeze %dma_start3A_134 : memref<1x56x1024xf32, #tpu.memory_space<vmem>> -> memref<56x1024xf32, #tpu.memory_space<vmem>>
    %dma_start3A_136 = arith.constant 0 : i32
    %dma_start3A_137 = tpu.memref_slice %arg3[%add3A_128, %dma_start3A_130, %dma_start3A_136] : memref<8192x1x1024xf32, #tpu.memory_space<hbm>> -> memref<56x1x1024xf32, #tpu.memory_space<hbm>>
    %dma_start3A_138 = tpu.memref_squeeze %dma_start3A_137 : memref<56x1x1024xf32, #tpu.memory_space<hbm>> -> memref<56x1024xf32, #tpu.memory_space<hbm>>
    %dma_start3A_139 = tpu.memref_slice %arg6[%dma_start3A_131] : memref<2x!tpu.dma_semaphore, #tpu.memory_space<semaphore_mem>> -> memref<1x!tpu.dma_semaphore, #tpu.memory_space<semaphore_mem>>
    %dma_start3A_140 = tpu.memref_squeeze %dma_start3A_139 : memref<1x!tpu.dma_semaphore, #tpu.memory_space<semaphore_mem>> -> memref<!tpu.dma_semaphore, #tpu.memory_space<semaphore_mem>>
    %dma_start3A_141 = arith.constant 0 : i32
    %dma_start3A_142 = tpu.memref_slice %arg3[%add3A_128, %dma_start3A_130, %dma_start3A_141] : memref<8192x1x1024xf32, #tpu.memory_space<hbm>> -> memref<56x1x1024xf32, #tpu.memory_space<hbm>>
    %dma_start3A_143 = tpu.memref_squeeze %dma_start3A_142 : memref<56x1x1024xf32, #tpu.memory_space<hbm>> -> memref<56x1024xf32, #tpu.memory_space<hbm>>
    %dma_start3A_144 = arith.constant 0 : i32
    %dma_start3A_145 = arith.constant 0 : i32
    %dma_start3A_146 = tpu.memref_slice %arg4[%dma_start3A_129, %dma_start3A_144, %dma_start3A_145] : memref<2x56x1024xf32, #tpu.memory_space<vmem>> -> memref<1x56x1024xf32, #tpu.memory_space<vmem>>
    %dma_start3A_147 = tpu.memref_squeeze %dma_start3A_146 : memref<1x56x1024xf32, #tpu.memory_space<vmem>> -> memref<56x1024xf32, #tpu.memory_space<vmem>>
    tpu.enqueue_dma source(%dma_start3A_147 : memref<56x1024xf32, #tpu.memory_space<vmem>>) target(%dma_start3A_143 : memref<56x1024xf32, #tpu.memory_space<hbm>>) target_semaphore(%dma_start3A_140 : memref<!tpu.dma_semaphore, #tpu.memory_space<semaphore_mem>>)
    %dma_wait3A_148 = arith.constant 1 : i32
    %dma_wait3A_149 = arith.constant 0 : i32
    %dma_wait3A_150 = arith.constant 1 : i32
    %dma_wait3A_151 = arith.constant 0 : i32
    %dma_wait3A_152 = arith.constant 0 : i32
    %dma_wait3A_153 = tpu.memref_slice %arg4[%dma_wait3A_148, %dma_wait3A_151, %dma_wait3A_152] : memref<2x56x1024xf32, #tpu.memory_space<vmem>> -> memref<1x56x1024xf32, #tpu.memory_space<vmem>>
    %dma_wait3A_154 = tpu.memref_squeeze %dma_wait3A_153 : memref<1x56x1024xf32, #tpu.memory_space<vmem>> -> memref<56x1024xf32, #tpu.memory_space<vmem>>
    %dma_wait3A_155 = arith.constant 0 : i32
    %dma_wait3A_156 = tpu.memref_slice %arg3[%add3A_128, %dma_wait3A_149, %dma_wait3A_155] : memref<8192x1x1024xf32, #tpu.memory_space<hbm>> -> memref<56x1x1024xf32, #tpu.memory_space<hbm>>
    %dma_wait3A_157 = tpu.memref_squeeze %dma_wait3A_156 : memref<56x1x1024xf32, #tpu.memory_space<hbm>> -> memref<56x1024xf32, #tpu.memory_space<hbm>>
    %dma_wait3A_158 = tpu.memref_slice %arg6[%dma_wait3A_150] : memref<2x!tpu.dma_semaphore, #tpu.memory_space<semaphore_mem>> -> memref<1x!tpu.dma_semaphore, #tpu.memory_space<semaphore_mem>>
    %dma_wait3A_159 = tpu.memref_squeeze %dma_wait3A_158 : memref<1x!tpu.dma_semaphore, #tpu.memory_space<semaphore_mem>> -> memref<!tpu.dma_semaphore, #tpu.memory_space<semaphore_mem>>
    %dma_wait3A_160 = arith.constant 0 : i32
    %dma_wait3A_161 = tpu.memref_slice %arg3[%add3A_128, %dma_wait3A_149, %dma_wait3A_160] : memref<8192x1x1024xf32, #tpu.memory_space<hbm>> -> memref<56x1x1024xf32, #tpu.memory_space<hbm>>
    %dma_wait3A_162 = tpu.memref_squeeze %dma_wait3A_161 : memref<56x1x1024xf32, #tpu.memory_space<hbm>> -> memref<56x1024xf32, #tpu.memory_space<hbm>>
    %dma_wait3A_163 = arith.constant 0 : i32
    %dma_wait3A_164 = arith.constant 0 : i32
    %dma_wait3A_165 = tpu.memref_slice %arg4[%dma_wait3A_148, %dma_wait3A_163, %dma_wait3A_164] : memref<2x56x1024xf32, #tpu.memory_space<vmem>> -> memref<1x56x1024xf32, #tpu.memory_space<vmem>>
    %dma_wait3A_166 = tpu.memref_squeeze %dma_wait3A_165 : memref<1x56x1024xf32, #tpu.memory_space<vmem>> -> memref<56x1024xf32, #tpu.memory_space<vmem>>
    tpu.wait_dma2 semaphore(%dma_wait3A_159 : memref<!tpu.dma_semaphore, #tpu.memory_space<semaphore_mem>>) src(%dma_wait3A_166 : memref<56x1024xf32, #tpu.memory_space<vmem>>) dst(%dma_wait3A_162 : memref<56x1024xf32, #tpu.memory_space<hbm>>)
    %add3A_167 = arith.constant 168 : i32
    %add3A_168 = arith.addi %mul3A_2, %add3A_167 : i32
    %dma_start3A_169 = arith.constant 1 : i32
    %dma_start3A_170 = arith.constant 1 : i32
    %dma_start3A_171 = arith.constant 0 : i32
    %dma_start3A_172 = arith.constant 0 : i32
    %dma_start3A_173 = tpu.memref_slice %arg4[%dma_start3A_169, %dma_start3A_171, %dma_start3A_172] : memref<2x56x1024xf32, #tpu.memory_space<vmem>> -> memref<1x56x1024xf32, #tpu.memory_space<vmem>>
    %dma_start3A_174 = tpu.memref_squeeze %dma_start3A_173 : memref<1x56x1024xf32, #tpu.memory_space<vmem>> -> memref<56x1024xf32, #tpu.memory_space<vmem>>
    %dma_start3A_175 = arith.constant 0 : i32
    %dma_start3A_176 = tpu.memref_slice %arg2[%add3A_168, %dma_start3A_175] : memref<8192x1024xf32, #tpu.memory_space<hbm>> -> memref<56x1024xf32, #tpu.memory_space<hbm>>
    %dma_start3A_177 = tpu.memref_slice %arg5[%dma_start3A_170] : memref<2x!tpu.dma_semaphore, #tpu.memory_space<semaphore_mem>> -> memref<1x!tpu.dma_semaphore, #tpu.memory_space<semaphore_mem>>
    %dma_start3A_178 = tpu.memref_squeeze %dma_start3A_177 : memref<1x!tpu.dma_semaphore, #tpu.memory_space<semaphore_mem>> -> memref<!tpu.dma_semaphore, #tpu.memory_space<semaphore_mem>>
    %dma_start3A_179 = arith.constant 0 : i32
    %dma_start3A_180 = arith.constant 0 : i32
    %dma_start3A_181 = tpu.memref_slice %arg4[%dma_start3A_169, %dma_start3A_179, %dma_start3A_180] : memref<2x56x1024xf32, #tpu.memory_space<vmem>> -> memref<1x56x1024xf32, #tpu.memory_space<vmem>>
    %dma_start3A_182 = tpu.memref_squeeze %dma_start3A_181 : memref<1x56x1024xf32, #tpu.memory_space<vmem>> -> memref<56x1024xf32, #tpu.memory_space<vmem>>
    %dma_start3A_183 = arith.constant 0 : i32
    %dma_start3A_184 = tpu.memref_slice %arg2[%add3A_168, %dma_start3A_183] : memref<8192x1024xf32, #tpu.memory_space<hbm>> -> memref<56x1024xf32, #tpu.memory_space<hbm>>
    tpu.enqueue_dma source(%dma_start3A_184 : memref<56x1024xf32, #tpu.memory_space<hbm>>) target(%dma_start3A_182 : memref<56x1024xf32, #tpu.memory_space<vmem>>) target_semaphore(%dma_start3A_178 : memref<!tpu.dma_semaphore, #tpu.memory_space<semaphore_mem>>)
    %dma_wait3A_185 = arith.constant 0 : i32
    %dma_wait3A_186 = arith.constant 0 : i32
    %dma_wait3A_187 = arith.constant 0 : i32
    %dma_wait3A_188 = arith.constant 0 : i32
    %dma_wait3A_189 = tpu.memref_slice %arg4[%dma_wait3A_185, %dma_wait3A_187, %dma_wait3A_188] : memref<2x56x1024xf32, #tpu.memory_space<vmem>> -> memref<1x56x1024xf32, #tpu.memory_space<vmem>>
    %dma_wait3A_190 = tpu.memref_squeeze %dma_wait3A_189 : memref<1x56x1024xf32, #tpu.memory_space<vmem>> -> memref<56x1024xf32, #tpu.memory_space<vmem>>
    %dma_wait3A_191 = arith.constant 0 : i32
    %dma_wait3A_192 = tpu.memref_slice %arg2[%add3A_94, %dma_wait3A_191] : memref<8192x1024xf32, #tpu.memory_space<hbm>> -> memref<56x1024xf32, #tpu.memory_space<hbm>>
    %dma_wait3A_193 = tpu.memref_slice %arg5[%dma_wait3A_186] : memref<2x!tpu.dma_semaphore, #tpu.memory_space<semaphore_mem>> -> memref<1x!tpu.dma_semaphore, #tpu.memory_space<semaphore_mem>>
    %dma_wait3A_194 = tpu.memref_squeeze %dma_wait3A_193 : memref<1x!tpu.dma_semaphore, #tpu.memory_space<semaphore_mem>> -> memref<!tpu.dma_semaphore, #tpu.memory_space<semaphore_mem>>
    %dma_wait3A_195 = arith.constant 0 : i32
    %dma_wait3A_196 = arith.constant 0 : i32
    %dma_wait3A_197 = tpu.memref_slice %arg4[%dma_wait3A_185, %dma_wait3A_195, %dma_wait3A_196] : memref<2x56x1024xf32, #tpu.memory_space<vmem>> -> memref<1x56x1024xf32, #tpu.memory_space<vmem>>
    %dma_wait3A_198 = tpu.memref_squeeze %dma_wait3A_197 : memref<1x56x1024xf32, #tpu.memory_space<vmem>> -> memref<56x1024xf32, #tpu.memory_space<vmem>>
    %dma_wait3A_199 = arith.constant 0 : i32
    %dma_wait3A_200 = tpu.memref_slice %arg2[%add3A_94, %dma_wait3A_199] : memref<8192x1024xf32, #tpu.memory_space<hbm>> -> memref<56x1024xf32, #tpu.memory_space<hbm>>
    tpu.wait_dma2 semaphore(%dma_wait3A_194 : memref<!tpu.dma_semaphore, #tpu.memory_space<semaphore_mem>>) src(%dma_wait3A_200 : memref<56x1024xf32, #tpu.memory_space<hbm>>) dst(%dma_wait3A_198 : memref<56x1024xf32, #tpu.memory_space<vmem>>)
    %add3A_201 = arith.constant 112 : i32
    %add3A_202 = arith.addi %mul3A_2, %add3A_201 : i32
    %dma_start3A_203 = arith.constant 0 : i32
    %dma_start3A_204 = arith.constant 0 : i32
    %dma_start3A_205 = arith.constant 0 : i32
    %dma_start3A_206 = arith.constant 0 : i32
    %dma_start3A_207 = arith.constant 0 : i32
    %dma_start3A_208 = tpu.memref_slice %arg4[%dma_start3A_203, %dma_start3A_206, %dma_start3A_207] : memref<2x56x1024xf32, #tpu.memory_space<vmem>> -> memref<1x56x1024xf32, #tpu.memory_space<vmem>>
    %dma_start3A_209 = tpu.memref_squeeze %dma_start3A_208 : memref<1x56x1024xf32, #tpu.memory_space<vmem>> -> memref<56x1024xf32, #tpu.memory_space<vmem>>
    %dma_start3A_210 = arith.constant 0 : i32
    %dma_start3A_211 = tpu.memref_slice %arg3[%add3A_202, %dma_start3A_204, %dma_start3A_210] : memref<8192x1x1024xf32, #tpu.memory_space<hbm>> -> memref<56x1x1024xf32, #tpu.memory_space<hbm>>
    %dma_start3A_212 = tpu.memref_squeeze %dma_start3A_211 : memref<56x1x1024xf32, #tpu.memory_space<hbm>> -> memref<56x1024xf32, #tpu.memory_space<hbm>>
    %dma_start3A_213 = tpu.memref_slice %arg6[%dma_start3A_205] : memref<2x!tpu.dma_semaphore, #tpu.memory_space<semaphore_mem>> -> memref<1x!tpu.dma_semaphore, #tpu.memory_space<semaphore_mem>>
    %dma_start3A_214 = tpu.memref_squeeze %dma_start3A_213 : memref<1x!tpu.dma_semaphore, #tpu.memory_space<semaphore_mem>> -> memref<!tpu.dma_semaphore, #tpu.memory_space<semaphore_mem>>
    %dma_start3A_215 = arith.constant 0 : i32
    %dma_start3A_216 = tpu.memref_slice %arg3[%add3A_202, %dma_start3A_204, %dma_start3A_215] : memref<8192x1x1024xf32, #tpu.memory_space<hbm>> -> memref<56x1x1024xf32, #tpu.memory_space<hbm>>
    %dma_start3A_217 = tpu.memref_squeeze %dma_start3A_216 : memref<56x1x1024xf32, #tpu.memory_space<hbm>> -> memref<56x1024xf32, #tpu.memory_space<hbm>>
    %dma_start3A_218 = arith.constant 0 : i32
    %dma_start3A_219 = arith.constant 0 : i32
    %dma_start3A_220 = tpu.memref_slice %arg4[%dma_start3A_203, %dma_start3A_218, %dma_start3A_219] : memref<2x56x1024xf32, #tpu.memory_space<vmem>> -> memref<1x56x1024xf32, #tpu.memory_space<vmem>>
    %dma_start3A_221 = tpu.memref_squeeze %dma_start3A_220 : memref<1x56x1024xf32, #tpu.memory_space<vmem>> -> memref<56x1024xf32, #tpu.memory_space<vmem>>
    tpu.enqueue_dma source(%dma_start3A_221 : memref<56x1024xf32, #tpu.memory_space<vmem>>) target(%dma_start3A_217 : memref<56x1024xf32, #tpu.memory_space<hbm>>) target_semaphore(%dma_start3A_214 : memref<!tpu.dma_semaphore, #tpu.memory_space<semaphore_mem>>)
    %dma_wait3A_222 = arith.constant 0 : i32
    %dma_wait3A_223 = arith.constant 0 : i32
    %dma_wait3A_224 = arith.constant 0 : i32
    %dma_wait3A_225 = arith.constant 0 : i32
    %dma_wait3A_226 = arith.constant 0 : i32
    %dma_wait3A_227 = tpu.memref_slice %arg4[%dma_wait3A_222, %dma_wait3A_225, %dma_wait3A_226] : memref<2x56x1024xf32, #tpu.memory_space<vmem>> -> memref<1x56x1024xf32, #tpu.memory_space<vmem>>
    %dma_wait3A_228 = tpu.memref_squeeze %dma_wait3A_227 : memref<1x56x1024xf32, #tpu.memory_space<vmem>> -> memref<56x1024xf32, #tpu.memory_space<vmem>>
    %dma_wait3A_229 = arith.constant 0 : i32
    %dma_wait3A_230 = tpu.memref_slice %arg3[%add3A_202, %dma_wait3A_223, %dma_wait3A_229] : memref<8192x1x1024xf32, #tpu.memory_space<hbm>> -> memref<56x1x1024xf32, #tpu.memory_space<hbm>>
    %dma_wait3A_231 = tpu.memref_squeeze %dma_wait3A_230 : memref<56x1x1024xf32, #tpu.memory_space<hbm>> -> memref<56x1024xf32, #tpu.memory_space<hbm>>
    %dma_wait3A_232 = tpu.memref_slice %arg6[%dma_wait3A_224] : memref<2x!tpu.dma_semaphore, #tpu.memory_space<semaphore_mem>> -> memref<1x!tpu.dma_semaphore, #tpu.memory_space<semaphore_mem>>
    %dma_wait3A_233 = tpu.memref_squeeze %dma_wait3A_232 : memref<1x!tpu.dma_semaphore, #tpu.memory_space<semaphore_mem>> -> memref<!tpu.dma_semaphore, #tpu.memory_space<semaphore_mem>>
    %dma_wait3A_234 = arith.constant 0 : i32
    %dma_wait3A_235 = tpu.memref_slice %arg3[%add3A_202, %dma_wait3A_223, %dma_wait3A_234] : memref<8192x1x1024xf32, #tpu.memory_space<hbm>> -> memref<56x1x1024xf32, #tpu.memory_space<hbm>>
    %dma_wait3A_236 = tpu.memref_squeeze %dma_wait3A_235 : memref<56x1x1024xf32, #tpu.memory_space<hbm>> -> memref<56x1024xf32, #tpu.memory_space<hbm>>
    %dma_wait3A_237 = arith.constant 0 : i32
    %dma_wait3A_238 = arith.constant 0 : i32
    %dma_wait3A_239 = tpu.memref_slice %arg4[%dma_wait3A_222, %dma_wait3A_237, %dma_wait3A_238] : memref<2x56x1024xf32, #tpu.memory_space<vmem>> -> memref<1x56x1024xf32, #tpu.memory_space<vmem>>
    %dma_wait3A_240 = tpu.memref_squeeze %dma_wait3A_239 : memref<1x56x1024xf32, #tpu.memory_space<vmem>> -> memref<56x1024xf32, #tpu.memory_space<vmem>>
    tpu.wait_dma2 semaphore(%dma_wait3A_233 : memref<!tpu.dma_semaphore, #tpu.memory_space<semaphore_mem>>) src(%dma_wait3A_240 : memref<56x1024xf32, #tpu.memory_space<vmem>>) dst(%dma_wait3A_236 : memref<56x1024xf32, #tpu.memory_space<hbm>>)
    %add3A_241 = arith.constant 224 : i32
    %add3A_242 = arith.addi %mul3A_2, %add3A_241 : i32
    %dma_start3A_243 = arith.constant 0 : i32
    %dma_start3A_244 = arith.constant 0 : i32
    %dma_start3A_245 = arith.constant 0 : i32
    %dma_start3A_246 = arith.constant 0 : i32
    %dma_start3A_247 = tpu.memref_slice %arg4[%dma_start3A_243, %dma_start3A_245, %dma_start3A_246] : memref<2x56x1024xf32, #tpu.memory_space<vmem>> -> memref<1x32x1024xf32, #tpu.memory_space<vmem>>
    %dma_start3A_248 = tpu.memref_squeeze %dma_start3A_247 : memref<1x32x1024xf32, #tpu.memory_space<vmem>> -> memref<32x1024xf32, #tpu.memory_space<vmem>>
    %dma_start3A_249 = arith.constant 0 : i32
    %dma_start3A_250 = tpu.memref_slice %arg2[%add3A_242, %dma_start3A_249] : memref<8192x1024xf32, #tpu.memory_space<hbm>> -> memref<32x1024xf32, #tpu.memory_space<hbm>>
    %dma_start3A_251 = tpu.memref_slice %arg5[%dma_start3A_244] : memref<2x!tpu.dma_semaphore, #tpu.memory_space<semaphore_mem>> -> memref<1x!tpu.dma_semaphore, #tpu.memory_space<semaphore_mem>>
    %dma_start3A_252 = tpu.memref_squeeze %dma_start3A_251 : memref<1x!tpu.dma_semaphore, #tpu.memory_space<semaphore_mem>> -> memref<!tpu.dma_semaphore, #tpu.memory_space<semaphore_mem>>
    %dma_start3A_253 = arith.constant 0 : i32
    %dma_start3A_254 = arith.constant 0 : i32
    %dma_start3A_255 = tpu.memref_slice %arg4[%dma_start3A_243, %dma_start3A_253, %dma_start3A_254] : memref<2x56x1024xf32, #tpu.memory_space<vmem>> -> memref<1x32x1024xf32, #tpu.memory_space<vmem>>
    %dma_start3A_256 = tpu.memref_squeeze %dma_start3A_255 : memref<1x32x1024xf32, #tpu.memory_space<vmem>> -> memref<32x1024xf32, #tpu.memory_space<vmem>>
    %dma_start3A_257 = arith.constant 0 : i32
    %dma_start3A_258 = tpu.memref_slice %arg2[%add3A_242, %dma_start3A_257] : memref<8192x1024xf32, #tpu.memory_space<hbm>> -> memref<32x1024xf32, #tpu.memory_space<hbm>>
    tpu.enqueue_dma source(%dma_start3A_258 : memref<32x1024xf32, #tpu.memory_space<hbm>>) target(%dma_start3A_256 : memref<32x1024xf32, #tpu.memory_space<vmem>>) target_semaphore(%dma_start3A_252 : memref<!tpu.dma_semaphore, #tpu.memory_space<semaphore_mem>>)
    %dma_wait3A_259 = arith.constant 1 : i32
    %dma_wait3A_260 = arith.constant 1 : i32
    %dma_wait3A_261 = arith.constant 0 : i32
    %dma_wait3A_262 = arith.constant 0 : i32
    %dma_wait3A_263 = tpu.memref_slice %arg4[%dma_wait3A_259, %dma_wait3A_261, %dma_wait3A_262] : memref<2x56x1024xf32, #tpu.memory_space<vmem>> -> memref<1x56x1024xf32, #tpu.memory_space<vmem>>
    %dma_wait3A_264 = tpu.memref_squeeze %dma_wait3A_263 : memref<1x56x1024xf32, #tpu.memory_space<vmem>> -> memref<56x1024xf32, #tpu.memory_space<vmem>>
    %dma_wait3A_265 = arith.constant 0 : i32
    %dma_wait3A_266 = tpu.memref_slice %arg2[%add3A_168, %dma_wait3A_265] : memref<8192x1024xf32, #tpu.memory_space<hbm>> -> memref<56x1024xf32, #tpu.memory_space<hbm>>
    %dma_wait3A_267 = tpu.memref_slice %arg5[%dma_wait3A_260] : memref<2x!tpu.dma_semaphore, #tpu.memory_space<semaphore_mem>> -> memref<1x!tpu.dma_semaphore, #tpu.memory_space<semaphore_mem>>
    %dma_wait3A_268 = tpu.memref_squeeze %dma_wait3A_267 : memref<1x!tpu.dma_semaphore, #tpu.memory_space<semaphore_mem>> -> memref<!tpu.dma_semaphore, #tpu.memory_space<semaphore_mem>>
    %dma_wait3A_269 = arith.constant 0 : i32
    %dma_wait3A_270 = arith.constant 0 : i32
    %dma_wait3A_271 = tpu.memref_slice %arg4[%dma_wait3A_259, %dma_wait3A_269, %dma_wait3A_270] : memref<2x56x1024xf32, #tpu.memory_space<vmem>> -> memref<1x56x1024xf32, #tpu.memory_space<vmem>>
    %dma_wait3A_272 = tpu.memref_squeeze %dma_wait3A_271 : memref<1x56x1024xf32, #tpu.memory_space<vmem>> -> memref<56x1024xf32, #tpu.memory_space<vmem>>
    %dma_wait3A_273 = arith.constant 0 : i32
    %dma_wait3A_274 = tpu.memref_slice %arg2[%add3A_168, %dma_wait3A_273] : memref<8192x1024xf32, #tpu.memory_space<hbm>> -> memref<56x1024xf32, #tpu.memory_space<hbm>>
    tpu.wait_dma2 semaphore(%dma_wait3A_268 : memref<!tpu.dma_semaphore, #tpu.memory_space<semaphore_mem>>) src(%dma_wait3A_274 : memref<56x1024xf32, #tpu.memory_space<hbm>>) dst(%dma_wait3A_272 : memref<56x1024xf32, #tpu.memory_space<vmem>>)
    %add3A_275 = arith.constant 168 : i32
    %add3A_276 = arith.addi %mul3A_2, %add3A_275 : i32
    %dma_start3A_277 = arith.constant 1 : i32
    %dma_start3A_278 = arith.constant 0 : i32
    %dma_start3A_279 = arith.constant 1 : i32
    %dma_start3A_280 = arith.constant 0 : i32
    %dma_start3A_281 = arith.constant 0 : i32
    %dma_start3A_282 = tpu.memref_slice %arg4[%dma_start3A_277, %dma_start3A_280, %dma_start3A_281] : memref<2x56x1024xf32, #tpu.memory_space<vmem>> -> memref<1x56x1024xf32, #tpu.memory_space<vmem>>
    %dma_start3A_283 = tpu.memref_squeeze %dma_start3A_282 : memref<1x56x1024xf32, #tpu.memory_space<vmem>> -> memref<56x1024xf32, #tpu.memory_space<vmem>>
    %dma_start3A_284 = arith.constant 0 : i32
    %dma_start3A_285 = tpu.memref_slice %arg3[%add3A_276, %dma_start3A_278, %dma_start3A_284] : memref<8192x1x1024xf32, #tpu.memory_space<hbm>> -> memref<56x1x1024xf32, #tpu.memory_space<hbm>>
    %dma_start3A_286 = tpu.memref_squeeze %dma_start3A_285 : memref<56x1x1024xf32, #tpu.memory_space<hbm>> -> memref<56x1024xf32, #tpu.memory_space<hbm>>
    %dma_start3A_287 = tpu.memref_slice %arg6[%dma_start3A_279] : memref<2x!tpu.dma_semaphore, #tpu.memory_space<semaphore_mem>> -> memref<1x!tpu.dma_semaphore, #tpu.memory_space<semaphore_mem>>
    %dma_start3A_288 = tpu.memref_squeeze %dma_start3A_287 : memref<1x!tpu.dma_semaphore, #tpu.memory_space<semaphore_mem>> -> memref<!tpu.dma_semaphore, #tpu.memory_space<semaphore_mem>>
    %dma_start3A_289 = arith.constant 0 : i32
    %dma_start3A_290 = tpu.memref_slice %arg3[%add3A_276, %dma_start3A_278, %dma_start3A_289] : memref<8192x1x1024xf32, #tpu.memory_space<hbm>> -> memref<56x1x1024xf32, #tpu.memory_space<hbm>>
    %dma_start3A_291 = tpu.memref_squeeze %dma_start3A_290 : memref<56x1x1024xf32, #tpu.memory_space<hbm>> -> memref<56x1024xf32, #tpu.memory_space<hbm>>
    %dma_start3A_292 = arith.constant 0 : i32
    %dma_start3A_293 = arith.constant 0 : i32
    %dma_start3A_294 = tpu.memref_slice %arg4[%dma_start3A_277, %dma_start3A_292, %dma_start3A_293] : memref<2x56x1024xf32, #tpu.memory_space<vmem>> -> memref<1x56x1024xf32, #tpu.memory_space<vmem>>
    %dma_start3A_295 = tpu.memref_squeeze %dma_start3A_294 : memref<1x56x1024xf32, #tpu.memory_space<vmem>> -> memref<56x1024xf32, #tpu.memory_space<vmem>>
    tpu.enqueue_dma source(%dma_start3A_295 : memref<56x1024xf32, #tpu.memory_space<vmem>>) target(%dma_start3A_291 : memref<56x1024xf32, #tpu.memory_space<hbm>>) target_semaphore(%dma_start3A_288 : memref<!tpu.dma_semaphore, #tpu.memory_space<semaphore_mem>>)
    %dma_wait3A_296 = arith.constant 0 : i32
    %dma_wait3A_297 = arith.constant 0 : i32
    %dma_wait3A_298 = arith.constant 0 : i32
    %dma_wait3A_299 = arith.constant 0 : i32
    %dma_wait3A_300 = tpu.memref_slice %arg4[%dma_wait3A_296, %dma_wait3A_298, %dma_wait3A_299] : memref<2x56x1024xf32, #tpu.memory_space<vmem>> -> memref<1x32x1024xf32, #tpu.memory_space<vmem>>
    %dma_wait3A_301 = tpu.memref_squeeze %dma_wait3A_300 : memref<1x32x1024xf32, #tpu.memory_space<vmem>> -> memref<32x1024xf32, #tpu.memory_space<vmem>>
    %dma_wait3A_302 = arith.constant 0 : i32
    %dma_wait3A_303 = tpu.memref_slice %arg2[%add3A_242, %dma_wait3A_302] : memref<8192x1024xf32, #tpu.memory_space<hbm>> -> memref<32x1024xf32, #tpu.memory_space<hbm>>
    %dma_wait3A_304 = tpu.memref_slice %arg5[%dma_wait3A_297] : memref<2x!tpu.dma_semaphore, #tpu.memory_space<semaphore_mem>> -> memref<1x!tpu.dma_semaphore, #tpu.memory_space<semaphore_mem>>
    %dma_wait3A_305 = tpu.memref_squeeze %dma_wait3A_304 : memref<1x!tpu.dma_semaphore, #tpu.memory_space<semaphore_mem>> -> memref<!tpu.dma_semaphore, #tpu.memory_space<semaphore_mem>>
    %dma_wait3A_306 = arith.constant 0 : i32
    %dma_wait3A_307 = arith.constant 0 : i32
    %dma_wait3A_308 = tpu.memref_slice %arg4[%dma_wait3A_296, %dma_wait3A_306, %dma_wait3A_307] : memref<2x56x1024xf32, #tpu.memory_space<vmem>> -> memref<1x32x1024xf32, #tpu.memory_space<vmem>>
    %dma_wait3A_309 = tpu.memref_squeeze %dma_wait3A_308 : memref<1x32x1024xf32, #tpu.memory_space<vmem>> -> memref<32x1024xf32, #tpu.memory_space<vmem>>
    %dma_wait3A_310 = arith.constant 0 : i32
    %dma_wait3A_311 = tpu.memref_slice %arg2[%add3A_242, %dma_wait3A_310] : memref<8192x1024xf32, #tpu.memory_space<hbm>> -> memref<32x1024xf32, #tpu.memory_space<hbm>>
    tpu.wait_dma2 semaphore(%dma_wait3A_305 : memref<!tpu.dma_semaphore, #tpu.memory_space<semaphore_mem>>) src(%dma_wait3A_311 : memref<32x1024xf32, #tpu.memory_space<hbm>>) dst(%dma_wait3A_309 : memref<32x1024xf32, #tpu.memory_space<vmem>>)
    %add3A_312 = arith.constant 224 : i32
    %add3A_313 = arith.addi %mul3A_2, %add3A_312 : i32
    %dma_start3A_314 = arith.constant 0 : i32
    %dma_start3A_315 = arith.constant 0 : i32
    %dma_start3A_316 = arith.constant 0 : i32
    %dma_start3A_317 = arith.constant 0 : i32
    %dma_start3A_318 = arith.constant 0 : i32
    %dma_start3A_319 = tpu.memref_slice %arg4[%dma_start3A_314, %dma_start3A_317, %dma_start3A_318] : memref<2x56x1024xf32, #tpu.memory_space<vmem>> -> memref<1x32x1024xf32, #tpu.memory_space<vmem>>
    %dma_start3A_320 = tpu.memref_squeeze %dma_start3A_319 : memref<1x32x1024xf32, #tpu.memory_space<vmem>> -> memref<32x1024xf32, #tpu.memory_space<vmem>>
    %dma_start3A_321 = arith.constant 0 : i32
    %dma_start3A_322 = tpu.memref_slice %arg3[%add3A_313, %dma_start3A_315, %dma_start3A_321] : memref<8192x1x1024xf32, #tpu.memory_space<hbm>> -> memref<32x1x1024xf32, #tpu.memory_space<hbm>>
    %dma_start3A_323 = tpu.memref_squeeze %dma_start3A_322 : memref<32x1x1024xf32, #tpu.memory_space<hbm>> -> memref<32x1024xf32, #tpu.memory_space<hbm>>
    %dma_start3A_324 = tpu.memref_slice %arg6[%dma_start3A_316] : memref<2x!tpu.dma_semaphore, #tpu.memory_space<semaphore_mem>> -> memref<1x!tpu.dma_semaphore, #tpu.memory_space<semaphore_mem>>
    %dma_start3A_325 = tpu.memref_squeeze %dma_start3A_324 : memref<1x!tpu.dma_semaphore, #tpu.memory_space<semaphore_mem>> -> memref<!tpu.dma_semaphore, #tpu.memory_space<semaphore_mem>>
    %dma_start3A_326 = arith.constant 0 : i32
    %dma_start3A_327 = tpu.memref_slice %arg3[%add3A_313, %dma_start3A_315, %dma_start3A_326] : memref<8192x1x1024xf32, #tpu.memory_space<hbm>> -> memref<32x1x1024xf32, #tpu.memory_space<hbm>>
    %dma_start3A_328 = tpu.memref_squeeze %dma_start3A_327 : memref<32x1x1024xf32, #tpu.memory_space<hbm>> -> memref<32x1024xf32, #tpu.memory_space<hbm>>
    %dma_start3A_329 = arith.constant 0 : i32
    %dma_start3A_330 = arith.constant 0 : i32
    %dma_start3A_331 = tpu.memref_slice %arg4[%dma_start3A_314, %dma_start3A_329, %dma_start3A_330] : memref<2x56x1024xf32, #tpu.memory_space<vmem>> -> memref<1x32x1024xf32, #tpu.memory_space<vmem>>
    %dma_start3A_332 = tpu.memref_squeeze %dma_start3A_331 : memref<1x32x1024xf32, #tpu.memory_space<vmem>> -> memref<32x1024xf32, #tpu.memory_space<vmem>>
    tpu.enqueue_dma source(%dma_start3A_332 : memref<32x1024xf32, #tpu.memory_space<vmem>>) target(%dma_start3A_328 : memref<32x1024xf32, #tpu.memory_space<hbm>>) target_semaphore(%dma_start3A_325 : memref<!tpu.dma_semaphore, #tpu.memory_space<semaphore_mem>>)
    %dma_wait3A_333 = arith.constant 1 : i32
    %dma_wait3A_334 = arith.constant 0 : i32
    %dma_wait3A_335 = arith.constant 1 : i32
    %dma_wait3A_336 = arith.constant 0 : i32
    %dma_wait3A_337 = arith.constant 0 : i32
    %dma_wait3A_338 = tpu.memref_slice %arg4[%dma_wait3A_333, %dma_wait3A_336, %dma_wait3A_337] : memref<2x56x1024xf32, #tpu.memory_space<vmem>> -> memref<1x56x1024xf32, #tpu.memory_space<vmem>>
    %dma_wait3A_339 = tpu.memref_squeeze %dma_wait3A_338 : memref<1x56x1024xf32, #tpu.memory_space<vmem>> -> memref<56x1024xf32, #tpu.memory_space<vmem>>
    %dma_wait3A_340 = arith.constant 0 : i32
    %dma_wait3A_341 = tpu.memref_slice %arg3[%add3A_276, %dma_wait3A_334, %dma_wait3A_340] : memref<8192x1x1024xf32, #tpu.memory_space<hbm>> -> memref<56x1x1024xf32, #tpu.memory_space<hbm>>
    %dma_wait3A_342 = tpu.memref_squeeze %dma_wait3A_341 : memref<56x1x1024xf32, #tpu.memory_space<hbm>> -> memref<56x1024xf32, #tpu.memory_space<hbm>>
    %dma_wait3A_343 = tpu.memref_slice %arg6[%dma_wait3A_335] : memref<2x!tpu.dma_semaphore, #tpu.memory_space<semaphore_mem>> -> memref<1x!tpu.dma_semaphore, #tpu.memory_space<semaphore_mem>>
    %dma_wait3A_344 = tpu.memref_squeeze %dma_wait3A_343 : memref<1x!tpu.dma_semaphore, #tpu.memory_space<semaphore_mem>> -> memref<!tpu.dma_semaphore, #tpu.memory_space<semaphore_mem>>
    %dma_wait3A_345 = arith.constant 0 : i32
    %dma_wait3A_346 = tpu.memref_slice %arg3[%add3A_276, %dma_wait3A_334, %dma_wait3A_345] : memref<8192x1x1024xf32, #tpu.memory_space<hbm>> -> memref<56x1x1024xf32, #tpu.memory_space<hbm>>
    %dma_wait3A_347 = tpu.memref_squeeze %dma_wait3A_346 : memref<56x1x1024xf32, #tpu.memory_space<hbm>> -> memref<56x1024xf32, #tpu.memory_space<hbm>>
    %dma_wait3A_348 = arith.constant 0 : i32
    %dma_wait3A_349 = arith.constant 0 : i32
    %dma_wait3A_350 = tpu.memref_slice %arg4[%dma_wait3A_333, %dma_wait3A_348, %dma_wait3A_349] : memref<2x56x1024xf32, #tpu.memory_space<vmem>> -> memref<1x56x1024xf32, #tpu.memory_space<vmem>>
    %dma_wait3A_351 = tpu.memref_squeeze %dma_wait3A_350 : memref<1x56x1024xf32, #tpu.memory_space<vmem>> -> memref<56x1024xf32, #tpu.memory_space<vmem>>
    tpu.wait_dma2 semaphore(%dma_wait3A_344 : memref<!tpu.dma_semaphore, #tpu.memory_space<semaphore_mem>>) src(%dma_wait3A_351 : memref<56x1024xf32, #tpu.memory_space<vmem>>) dst(%dma_wait3A_347 : memref<56x1024xf32, #tpu.memory_space<hbm>>)
    %dma_wait3A_352 = arith.constant 0 : i32
    %dma_wait3A_353 = arith.constant 0 : i32
    %dma_wait3A_354 = arith.constant 0 : i32
    %dma_wait3A_355 = arith.constant 0 : i32
    %dma_wait3A_356 = arith.constant 0 : i32
    %dma_wait3A_357 = tpu.memref_slice %arg4[%dma_wait3A_352, %dma_wait3A_355, %dma_wait3A_356] : memref<2x56x1024xf32, #tpu.memory_space<vmem>> -> memref<1x32x1024xf32, #tpu.memory_space<vmem>>
    %dma_wait3A_358 = tpu.memref_squeeze %dma_wait3A_357 : memref<1x32x1024xf32, #tpu.memory_space<vmem>> -> memref<32x1024xf32, #tpu.memory_space<vmem>>
    %dma_wait3A_359 = arith.constant 0 : i32
    %dma_wait3A_360 = tpu.memref_slice %arg3[%add3A_313, %dma_wait3A_353, %dma_wait3A_359] : memref<8192x1x1024xf32, #tpu.memory_space<hbm>> -> memref<32x1x1024xf32, #tpu.memory_space<hbm>>
    %dma_wait3A_361 = tpu.memref_squeeze %dma_wait3A_360 : memref<32x1x1024xf32, #tpu.memory_space<hbm>> -> memref<32x1024xf32, #tpu.memory_space<hbm>>
    %dma_wait3A_362 = tpu.memref_slice %arg6[%dma_wait3A_354] : memref<2x!tpu.dma_semaphore, #tpu.memory_space<semaphore_mem>> -> memref<1x!tpu.dma_semaphore, #tpu.memory_space<semaphore_mem>>
    %dma_wait3A_363 = tpu.memref_squeeze %dma_wait3A_362 : memref<1x!tpu.dma_semaphore, #tpu.memory_space<semaphore_mem>> -> memref<!tpu.dma_semaphore, #tpu.memory_space<semaphore_mem>>
    %dma_wait3A_364 = arith.constant 0 : i32
    %dma_wait3A_365 = tpu.memref_slice %arg3[%add3A_313, %dma_wait3A_353, %dma_wait3A_364] : memref<8192x1x1024xf32, #tpu.memory_space<hbm>> -> memref<32x1x1024xf32, #tpu.memory_space<hbm>>
    %dma_wait3A_366 = tpu.memref_squeeze %dma_wait3A_365 : memref<32x1x1024xf32, #tpu.memory_space<hbm>> -> memref<32x1024xf32, #tpu.memory_space<hbm>>
    %dma_wait3A_367 = arith.constant 0 : i32
    %dma_wait3A_368 = arith.constant 0 : i32
    %dma_wait3A_369 = tpu.memref_slice %arg4[%dma_wait3A_352, %dma_wait3A_367, %dma_wait3A_368] : memref<2x56x1024xf32, #tpu.memory_space<vmem>> -> memref<1x32x1024xf32, #tpu.memory_space<vmem>>
    %dma_wait3A_370 = tpu.memref_squeeze %dma_wait3A_369 : memref<1x32x1024xf32, #tpu.memory_space<vmem>> -> memref<32x1024xf32, #tpu.memory_space<vmem>>
    tpu.wait_dma2 semaphore(%dma_wait3A_363 : memref<!tpu.dma_semaphore, #tpu.memory_space<semaphore_mem>>) src(%dma_wait3A_370 : memref<32x1024xf32, #tpu.memory_space<vmem>>) dst(%dma_wait3A_366 : memref<32x1024xf32, #tpu.memory_space<hbm>>)
    return
  }
}

</mosaic_0001>

<sc_bundles>
// kernel: kernel.3.cloned.1.call-start
scs
__scs_entry_jumppad:
0x0: {  	(pc) =	sbr.rel $0x88, $3  }
0x1: {  	(tag) =	ssettag $0x0;
	lr =	simm.s32 $0x1  }
0x2: {  	[smem:$0x3FA0] =	sst lr;
	_ =	strace $0xD0000000  }
0x3: {  	_ = 	snop  }
0x4: {  	_ = 	snop  }
0x5: {  	_ = 	snop  }
0x6: {  	_ = 	snop  }
0x7: {  	_ = 	snop  }
__scs_overlays_trampoline_lowered:
0x8: {  	[smem:$0x3FAF] =	sst s0  }
0x9: {  	[smem:$0x3FB0] =	sst s1  }
0xa: {  	[smem:$0x3FB1] =	sst s2  }
0xb: {  	[smem:$0x3FB2] =	sst s3  }
0xc: {  	[smem:$0x3FB3] =	sst s4  }
0xd: {  	[smem:$0x3FB4] =	sst s5  }
0xe: {  	[smem:$0x3FB5] =	sst s6  }
0xf: {  	[smem:$0x3FB6] =	sst s7  }
0x10: {  	[smem:$0x3FB7] =	sst s8  }
0x11: {  	[smem:$0x3FB8] =	sst s9;
	s0 =	simm.s32 @!p0 $0x0  }
0x12: {  	s1 =	sld [smem:$0x3F9E];
	s0 =	simm.s32 @p0 $0x1  }
0x13: {  	[smem:$0x3FB9] =	sst s0;
	s0 =	simm.s32 @!p1 $0x0  }
0x14: {  	s2 =	sld [smem:$0x3F9D];
	s0 =	simm.s32 @p1 $0x1  }
0x15: {  	[smem:$0x3FBA] =	sst s0;
	s0 =	simm.s32 @!p2 $0x0  }
0x16: {  	s3 =	sld [smem:$0x3FDB];
	s0 =	simm.s32 @p2 $0x1  }
0x17: {  	s4 =	simm.s32 $0x1BF5;
	[smem:$0x3FBC] =	sst s0  }
0x18: {  	s0 =	sld [smem:$0x3F9F];
	_ =	swait.ge [sflag:s4], $0x0  }
0x19: {  	s7 =	sld [smem:$0x3FA0]  }
0x1a: {  	s8 =	sadd.s32 $0xFFFFE003, lr  }
0x1b: {  	s9 =	sadd.s32 $0xFFFFFEF7, lr;
	s5 =	simm.s32 $0xFFFFFFFF;
	p2 =	slt.u32 s8, $0xFFFFF086  }
0x1c: {  	p1 =	slt.u32 s9, $0xF7A;
	s5 =	simm.s32 @!p2 $0x0  }
0x1d: {  	s5 =	simm.s32 @p1 $0x1;
	p0 =	seq.s32 s7, s2  }
0x1e: {  	s7 =	smul.u32 @!p0 $0xF7A, s2;
	p2 =	seq.s32 @!p0 s5, $0x0  }
0x1f: {  	s9 =	smul.u32 $0xF7A, s1;
	s8 =	simm.s32 @!p0 $0x1BF5;
	p2 =	por !p2, p0  }
0x20: {  	[sflag:s8] =	ssyncset.s32 @!p0 $0xFFFFF086;
	s6 =	sadd.s32 @!p0 s3, s7;
	s7 =	simm.s32 @!p0 $0x108  }
0x21: {  	s3 =	sadd.s32 s3, s9;
	s6 =	sadd.s32 @!p0 $0x88, s6;
	s7 =	simm.s32 @p2 $0x1082  }
0x22: {  	[simem:s7], [sflag:s8] =	dma.local @!p0 [hbm:s6], $0xF7A  }
0x23: {  	s9 =	sor.u32 $0xD0000000, s2;
	s6 =	simm.s32 $0x108;
	_ =	swait.ge @!p0 [sflag:s8], $0x0  }
0x24: {  	s3 =	sadd.s32 $0x88, s3;
	s6 =	simm.s32 @!p1 $0x1082;
	[sflag:s4] =	ssyncset.s32 $0xFFFFF086  }
0x25: {  	[simem:s6], [sflag:s4] =	dma.local [hbm:s3], $0xF7A  }
0x26: {  	[smem:$0x3FA0] =	sst s1;
	(tag) =	ssettag s2;
	_ =	strace s9  }
0x27: {  	s1 =	sld [smem:$0x3FB0]  }
0x28: {  	s2 =	sld [smem:$0x3FB1]  }
0x29: {  	s4 =	sld [smem:$0x3FB3]  }
0x2a: {  	p0 =	seq.s32 s5, $0x0;
	s5 =	sld [smem:$0x3FB4]  }
0x2b: {  	s6 =	sld [smem:$0x3FB5]  }
0x2c: {  	s7 =	sld [smem:$0x3FB6]  }
0x2d: {  	s3 =	simm.s32 $0x108;
	s8 =	sld [smem:$0x3FB7]  }
0x2e: {  	s3 =	simm.s32 @!p0 $0x1082;
	s9 =	sld [smem:$0x3FB8]  }
0x2f: {  	lr =	sadd.s32 s0, s3;
	s0 =	sld [smem:$0x3FAF]  }
0x30: {  	s3 =	sld [smem:$0x3FB2]  }
0x31: {  	[smem:$0x3FBB] =	sst s10  }
0x32: {  	s10 =	sld [smem:$0x3FB9];
	_ =	sdelay $0x3  }
0x33: {  	p0 =	seq.s32 s10, $0x1;
	s10 =	sld [smem:$0x3FBB];
	_ =	sdelay $0x3  }
0x34: {  	[smem:$0x3FBB] =	sst s10  }
0x35: {  	s10 =	sld [smem:$0x3FBA];
	_ =	sdelay $0x3  }
0x36: {  	p1 =	seq.s32 s10, $0x1;
	s10 =	sld [smem:$0x3FBB];
	_ =	sdelay $0x3  }
0x37: {  	[smem:$0x3FBB] =	sst s10  }
0x38: {  	s10 =	sld [smem:$0x3FBC]  }
0x39: {  	_ = 	snop;
	(pc) =	sbr.ind lr, $3  }
0x3a: {  	_ = 	snop  }
0x3b: {  	_ = 	snop  }
0x3c: {  	p2 =	seq.s32 s10, $0x1;
	s10 =	sld [smem:$0x3FBB]  }
0x3d: {  	_ =	shalt  }
0x3e: {  	_ =	shalt  }
0x3f: {  	_ =	shalt  }
0x40: {  	_ =	shalt  }
0x41: {  	_ =	shalt  }
0x42: {  	_ =	shalt  }
0x43: {  	_ =	shalt  }
0x44: {  	_ =	shalt  }
0x45: {  	_ =	shalt  }
0x46: {  	_ =	shalt  }
0x47: {  	_ =	shalt  }
0x48: {  	_ =	shalt  }
0x49: {  	_ =	shalt  }
0x4a: {  	_ =	shalt  }
0x4b: {  	_ =	shalt  }
0x4c: {  	_ =	shalt  }
0x4d: {  	_ =	shalt  }
0x4e: {  	_ =	shalt  }
0x4f: {  	_ =	shalt  }
0x50: {  	_ =	shalt  }
0x51: {  	_ =	shalt  }
0x52: {  	_ =	shalt  }
0x53: {  	_ =	shalt  }
0x54: {  	_ =	shalt  }
0x55: {  	_ =	shalt  }
0x56: {  	_ =	shalt  }
0x57: {  	_ =	shalt  }
0x58: {  	_ =	shalt  }
0x59: {  	_ =	shalt  }
0x5a: {  	_ =	shalt  }
0x5b: {  	_ =	shalt  }
0x5c: {  	_ =	shalt  }
0x5d: {  	_ =	shalt  }
0x5e: {  	_ =	shalt  }
0x5f: {  	_ =	shalt  }
0x60: {  	_ =	shalt  }
0x61: {  	_ =	shalt  }
0x62: {  	_ =	shalt  }
0x63: {  	_ =	shalt  }
0x64: {  	_ =	shalt  }
0x65: {  	_ =	shalt  }
0x66: {  	_ =	shalt  }
0x67: {  	_ =	shalt  }
0x68: {  	_ =	shalt  }
0x69: {  	_ =	shalt  }
0x6a: {  	_ =	shalt  }
0x6b: {  	_ =	shalt  }
0x6c: {  	_ =	shalt  }
0x6d: {  	_ =	shalt  }
0x6e: {  	_ =	shalt  }
0x6f: {  	_ =	shalt  }
0x70: {  	_ =	shalt  }
0x71: {  	_ =	shalt  }
0x72: {  	_ =	shalt  }
0x73: {  	_ =	shalt  }
0x74: {  	_ =	shalt  }
0x75: {  	_ =	shalt  }
0x76: {  	_ =	shalt  }
0x77: {  	_ =	shalt  }
0x78: {  	_ =	shalt  }
0x79: {  	_ =	shalt  }
0x7a: {  	_ =	shalt  }
0x7b: {  	_ =	shalt  }
0x7c: {  	_ =	shalt  }
0x7d: {  	_ =	shalt  }
0x7e: {  	_ =	shalt  }
0x7f: {  	_ =	shalt  }
0x80: {  	_ =	shalt  }
0x81: {  	_ =	shalt  }
0x82: {  	_ =	shalt  }
0x83: {  	_ =	shalt  }
0x84: {  	_ =	shalt  }
0x85: {  	_ =	shalt  }
0x86: {  	_ =	shalt  }
0x87: {  	_ =	shalt  }
.Lfunc_end0:
.L_simem_size_0:
called_computation_lowered:
.L_overlay_start_0:
0x88: {  	s2 =	sld [smem:$0x3FD9]  }
0x89: {  	s3 =	sld [smem:$0x3FFE];
	_ =	sdelay $0x1  }
0x8a: {  	s1 =	srdreg.scid  }
0x8b: {  	s0 =	sand.u32 $0x1, s1  }
0x8c: {  	s18 =	sshll.u32 s0, $0xA;
	s2 =	sadd.s32 s3, s2  }
0x8d: {  	s2 =	sadd.s32 s2, s18  }
0x8e: {  	[smem:$0x3FC7] =	sst s2  }
0x8f: {  	_ = 	snop  }
0x90: {  	s2 =	sld [smem:$0x3FC9]  }
0x91: {  	s19 =	sld [smem:$0x3FD0];
	(tm) =	ssettm $0x1  }
0x92: {  	s4 =	sld [smem:$0x3FFB];
	_ =	sdelay $0x3  }
0x93: {  	_ =	strace s4  }
0x94: {  	s4 =	sld [smem:$0x3FFC];
	_ =	sdelay $0x3  }
0x95: {  	_ =	strace s4  }
0x96: {  	s4 =	sld [smem:$0x3FFD];
	_ =	sdelay $0x3  }
0x97: {  	_ =	strace s4  }
0x98: {  	_ =	strace $0x8FFFFFFF  }
0x99: {  	s20 =	sld [smem:$0x3FDB];
	_ =	sdelay $0x1  }
0x9a: {  	s5 =	simm.s32 $_scs_section_size  }
0x9b: {  	s6 =	simm.s32 $_size__tile_overlayer_lowered;
	s7 =	simm.s32 $_tile_overlayer_lowered  }
0x9c: {  	s23 =	simm.s32 $0x1BFF;
	s22 =	sshll.u32 s7, $0x1;
	s4 =	sadd.s32 s5, s20  }
0x9d: {  	s8 =	simm.s32 $0x0;
	s21 =	sshll.u32 s6, $0x1;
	s6 =	sadd.s32 s22, s4  }
0x9e: {  	[timem:s8], [sflag:s23] =	dma.local [hbm:s6], s21  }
0x9f: {  	_ =	swait.ge [sflag:s23], s21  }
0xa0: {  	s5 =	ssub.s32 $0x0, s21;
	[sflag:s23] =	ssyncset.done $0x0  }
0xa1: {  	[sflag:s23] =	ssyncadd.s32 s5;
	_ =	sdelay $0x1  }
0xa2: {  	s24 =	simm.s32 $0x1B8B  }
0xa3: {  	_ =	swait.ge [sflag:s24], $0x1  }
0xa4: {  	[sflag:s24] =	ssyncset.done $0x0  }
0xa5: {  	s25 =	simm.s32 $0x1B8E;
	[sflag:s24] =	ssyncadd.s32 $0xFFFFFFFF  }
0xa6: {  	s26 =	simm.s32 $execute0_lowered;
	[smem:$0x3FD2] =	sst s25  }
0xa7: {  	s5 =	sshll.u32 s26, $0x1;
	_ =	strace $0x80000046;
	[dreg:$0x1] =	wrdreg $0xFFFFFFFF  }
0xa8: {  	s28 =	simm.s32 $_size_execute0_lowered;
	s4 =	sadd.s32 s4, s5;
	[dreg:$0x0] =	wrdreg $0x0  }
0xa9: {  	s5 =	sshll.u32 s28, $0x1;
	[dreg:$0x2] =	wrdreg s4  }
0xaa: {  	[dreg:$0x3] =	wrdreg s5  }
0xab: {  	[dreg:$0x4] =	wrdreg $0xC0  }
0xac: {  	_ =	task [dreg:s8], $0x5FFFF  }
0xad: {  	[dreg:$0x1] =	wrdreg $0xFFFFFFFF  }
0xae: {  	[dreg:$0x0] =	wrdreg $0x60  }
0xaf: {  	[dreg:$0x2] =	wrdreg s2  }
0xb0: {  	[dreg:$0x3] =	wrdreg s19  }
0xb1: {  	[dreg:$0x4] =	wrdreg $0x9  }
0xb2: {  	_ =	task.clear_ibuf [dreg:s8], $0x5FFFF;
	_ =	strace $0x90000046  }
0xb3: {  	s29 =	simm.s32 $0x9;
	_ =	strace $0x80000048  }
0xb4: {  	_ =	swait.ge [sflag:s29], $0x1  }
0xb5: {  	[sflag:s29] =	ssyncadd.s32 $0xFFFFFFFF  }
0xb6: {  	_ =	strace $0x90000048  }
0xb7: {  	_ =	sfence  }
0xb8: {  	s30 =	sld [smem:$0x0];
	_ =	sdelay $0x2  }
0xb9: {  	s31 =	sshll.u32 s1, $0xD;
	s1 =	sshrl.u32 s1, $0x2  }
0xba: {  	s3 =	sand.u32 $0x4000, s31;
	s1 =	sadd.s32 s1, s30  }
0xbb: {  	s0 =	sor.u32 s3, s0;
	s1 =	sshll.u32 s1, $0x11  }
0xbc: {  	s0 =	sor.u32 s1, s0  }
0xbd: {  	s0 =	sadd.s32 $0x8F2B, s0  }
0xbe: {  	[sflag:s0] =	ssyncadd.remote.s32 $0x1  }
0xbf: {  	_ =	sfence.sel $0xFFFF  }
0xc0: {  	[dreg:$0x0] =	wrdreg $0xFFFFFFFF;
	(pc) =	sbr.abs _section_cstart, $3  }
0xc1: {  	[dreg:$0x1] =	wrdreg $0xFFFFFFFF  }
0xc2: {  	_ =	task.clear_ibuf [dreg:s8], $0x2FFFF;
	_ =	strace $0x9FFFFFFF  }
0xc3: {  	(tm) =	ssettm $0x7FFFFFFF  }
tec
execute0_lowered:
.L_overlay_start_1:
0x0: {  	(tag) =	ssettag $0x1  }
0x1: {  	s10 =	rddreg [dreg:$0x0]  }
0x2: {  	s12 =	rddreg [dreg:$0x1]  }
0x3: {  	s0 =	rddreg [dreg:$0x2];
	s2 =	simm.s32 $0x0;
	s3 =	srdreg.scid  }
0x4: {  	s1 =	stileid.u32;
	s16 =	simm.s32 $0x80;
	s17 =	simm.s32 $0x400  }
0x5: {  	s18 =	simm.s32 $0x3;
	s19 =	simm.s32 $0x2;
	s20 =	simm.s32 $0x4  }
0x6: {  	s21 =	simm.s32 $0x0;
	[smem:$0x7FF] =	sst s2;
	s3 =	sand.u32 $0x1, s3  }
0x7: {  	s5 =	sshll.u32 s1, $0x10;
	s4 =	ssub.s32 $0x2, s3;
	s3 =	sshll.u32 s3, $0xF  }
0x8: {  	_ =	strace $0x80000047;
	s6 =	sshrl.u32 s4, $0x1;
	s11 =	sor.u32 s3, s5  }
0x9: {  	s13 =	ssub.s32 s4, s6;
	s3 =	sadd.s32 s10, s11;
	s7 =	sor.u32 $0x1C00, s11  }
0xa: {  	s5 =	sadd.s32 s12, s11;
	s9 =	sor.u32 $0x3800, s11;
	s14 =	sor.u32 $0x5400, s11  }
0xb: {  	s15 =	sor.u32 $0x7000, s11;
	s4 =	sadd.s32 s10, s7;
	s6 =	sadd.s32 s10, s9  }
0xc: {  	s7 =	sadd.s32 s12, s7;
	s8 =	sadd.s32 s10, s14;
	s9 =	sadd.s32 s12, s9  }
0xd: {  	s10 =	sadd.s32 s10, s15;
	s11 =	sadd.s32 s12, s14;
	s12 =	sadd.s32 s12, s15  }
0xe: {  	s13 =	smax.u32 s13, $0x1;
	s14 =	simm.s32 $0xE000;
	s15 =	simm.s32 $0x1  }
.LBB2_1:
0xf: {  	[tilespmem:s2], [sflag:$0x1] =	stream.linear.gather [hbm4b:s3+s2], $0xE000, $0x38;
	[tilespmem:$0x1C000] =	vst v63  }
0x10: {  	_ = 	snop  }
0x11: {  	[tilespmem:s14], [sflag:$0x2] =	stream.linear.gather [hbm4b:s4+s2], $0xE000, $0x38;
	[tilespmem:$0x1C000] =	vst v63  }
0x12: {  	_ =	swait.ge [sflag:s15], $0xE000  }
0x13: {  	[sflag:s15] =	ssyncset.done $0x0  }
0x14: {  	s22 =	simm.s32 $0x0;
	[sflag:s15] =	ssyncadd.s32 $0xFFFF2000  }
0x15: {  	[hbm4b:s5+s16] =	stream.strided.scatter [tilespmem:s22], [sflag:$0x3], $0x400, s17, s16, $0x38;
	[tilespmem:$0x1C000] =	vst v63  }
0x16: {  	s29 =	simm.s32 $0x400;
	s23 =	sadd.s32 $0x10, s5  }
0x17: {  	[hbm4b:s23+s16] =	stream.strided.scatter [tilespmem:s29], [sflag:$0x3], $0x400, s17, s16, $0x38;
	[tilespmem:$0x1C000] =	vst v63  }
0x18: {  	s30 =	simm.s32 $0x800;
	s31 =	sadd.s32 $0x20, s5  }
0x19: {  	[hbm4b:s31+s16] =	stream.strided.scatter [tilespmem:s30], [sflag:$0x3], $0x400, s17, s16, $0x38;
	[tilespmem:$0x1C000] =	vst v63  }
0x1a: {  	s24 =	sadd.s32 $0x30, s5;
	s25 =	simm.s32 $0x1000;
	s23 =	simm.s32 $0xC00  }
0x1b: {  	[hbm4b:s24+s16] =	stream.strided.scatter [tilespmem:s23], [sflag:$0x3], $0x400, s17, s16, $0x38;
	[tilespmem:$0x1C000] =	vst v63  }
0x1c: {  	s26 =	sadd.s32 $0x40, s5;
	s28 =	simm.s32 $0x1400;
	s22 =	simm.s32 $0x8000  }
0x1d: {  	[hbm4b:s26+s16] =	stream.strided.scatter [tilespmem:s25], [sflag:$0x3], $0x400, s17, s16, $0x38;
	[tilespmem:$0x1C000] =	vst v63  }
0x1e: {  	s29 =	sadd.s32 $0x50, s5;
	s30 =	simm.s32 $0x1800;
	s31 =	sadd.s32 $0x60, s5  }
0x1f: {  	[hbm4b:s29+s16] =	stream.strided.scatter [tilespmem:s28], [sflag:$0x3], $0x400, s17, s16, $0x38;
	[tilespmem:$0x1C000] =	vst v63  }
0x20: {  	s24 =	simm.s32 $0x1C00;
	s23 =	sadd.s32 $0x400, s5;
	s25 =	sadd.s32 $0x70, s5  }
0x21: {  	[hbm4b:s31+s16] =	stream.strided.scatter [tilespmem:s30], [sflag:$0x3], $0x400, s17, s16, $0x38;
	[tilespmem:$0x1C000] =	vst v63  }
.LBB2_2:
0x22: {  	[hbm4b:s25+s16] =	stream.strided.scatter [tilespmem:s24], [sflag:$0x3], $0x400, s17, s16, $0x38;
	[tilespmem:$0x1C000] =	vst v63  }
0x23: {  	s24 =	sshra.s32 s22, $0x2;
	p0 =	sne.s32 s22, $0x30000;
	s22 =	sadd.s32 $0x8000, s22  }
0x24: {  	[hbm4b:s23+s16] =	stream.strided.scatter [tilespmem:s24], [sflag:$0x3], $0x400, s17, s16, $0x38;
	[tilespmem:$0x1C000] =	vst v63  }
0x25: {  	s26 =	sadd.s32 $0x10, s23;
	s25 =	sadd.s32 $0x400, s24  }
0x26: {  	[hbm4b:s26+s16] =	stream.strided.scatter [tilespmem:s25], [sflag:$0x3], $0x400, s17, s16, $0x38;
	[tilespmem:$0x1C000] =	vst v63  }
0x27: {  	s25 =	sadd.s32 $0x800, s24;
	s26 =	sadd.s32 $0x20, s23  }
0x28: {  	[hbm4b:s26+s16] =	stream.strided.scatter [tilespmem:s25], [sflag:$0x3], $0x400, s17, s16, $0x38;
	[tilespmem:$0x1C000] =	vst v63  }
0x29: {  	s25 =	sadd.s32 $0xC00, s24;
	s26 =	sadd.s32 $0x30, s23  }
0x2a: {  	[hbm4b:s26+s16] =	stream.strided.scatter [tilespmem:s25], [sflag:$0x3], $0x400, s17, s16, $0x38;
	[tilespmem:$0x1C000] =	vst v63  }
0x2b: {  	s25 =	sadd.s32 $0x1000, s24;
	s26 =	sadd.s32 $0x40, s23  }
0x2c: {  	[hbm4b:s26+s16] =	stream.strided.scatter [tilespmem:s25], [sflag:$0x3], $0x400, s17, s16, $0x38;
	[tilespmem:$0x1C000] =	vst v63  }
.Ltmp0:
0x2d: {  	s25 =	sadd.s32 $0x1400, s24;
	s26 =	sadd.s32 $0x50, s23;
	(pc) =	sbr.rel @p0 .LBB2_2-.Ltmp0, $4  }
0x2e: {  	[hbm4b:s26+s16] =	stream.strided.scatter [tilespmem:s25], [sflag:$0x3], $0x400, s17, s16, $0x38;
	[tilespmem:$0x1C000] =	vst v63  }
0x2f: {  	s25 =	sadd.s32 $0x1800, s24;
	s26 =	sadd.s32 $0x60, s23  }
0x30: {  	[hbm4b:s26+s16] =	stream.strided.scatter [tilespmem:s25], [sflag:$0x3], $0x400, s17, s16, $0x38;
	[tilespmem:$0x1C000] =	vst v63  }
0x31: {  	s24 =	sadd.s32 $0x1C00, s24;
	s25 =	sadd.s32 $0x70, s23;
	s23 =	sadd.s32 $0x400, s23  }
0x32: {  	[hbm4b:s25+s16] =	stream.strided.scatter [tilespmem:s24], [sflag:$0x3], $0x400, s17, s16, $0x38;
	[tilespmem:$0x1C000] =	vst v63  }
0x33: {  	_ =	swait.ge [sflag:s18], $0xE000  }
0x34: {  	[sflag:s18] =	ssyncset.done $0x0  }
0x35: {  	s22 =	simm.s32 $0x0;
	[sflag:s18] =	ssyncadd.s32 $0xFFFF2000  }
0x36: {  	[tilespmem:s22], [sflag:$0x1] =	stream.linear.gather [hbm4b:s6+s22], $0xE000, $0x38;
	[tilespmem:$0x1C000] =	vst v63  }
0x37: {  	_ =	swait.ge [sflag:s19], $0xE000  }
0x38: {  	[sflag:s19] =	ssyncset.done $0x0  }
0x39: {  	s28 =	simm.s32 $0xE000;
	[sflag:s19] =	ssyncadd.s32 $0xFFFF2000  }
0x3a: {  	[hbm4b:s7+s16] =	stream.strided.scatter [tilespmem:s28], [sflag:$0x4], $0x400, s17, s16, $0x38;
	[tilespmem:$0x1C000] =	vst v63  }
0x3b: {  	s29 =	simm.s32 $0xE400;
	s23 =	sadd.s32 $0x10, s7  }
0x3c: {  	[hbm4b:s23+s16] =	stream.strided.scatter [tilespmem:s29], [sflag:$0x4], $0x400, s17, s16, $0x38;
	[tilespmem:$0x1C000] =	vst v63  }
0x3d: {  	s30 =	simm.s32 $0xE800;
	s31 =	sadd.s32 $0x20, s7;
	s24 =	sadd.s32 $0x30, s7  }
0x3e: {  	[hbm4b:s31+s16] =	stream.strided.scatter [tilespmem:s30], [sflag:$0x4], $0x400, s17, s16, $0x38;
	[tilespmem:$0x1C000] =	vst v63  }
0x3f: {  	s25 =	simm.s32 $0xF000;
	s26 =	sadd.s32 $0x40, s7;
	s23 =	simm.s32 $0xEC00  }
0x40: {  	[hbm4b:s24+s16] =	stream.strided.scatter [tilespmem:s23], [sflag:$0x4], $0x400, s17, s16, $0x38;
	[tilespmem:$0x1C000] =	vst v63  }
0x41: {  	s22 =	simm.s32 $0x2000;
	s28 =	simm.s32 $0xF400;
	s29 =	sadd.s32 $0x50, s7  }
0x42: {  	[hbm4b:s26+s16] =	stream.strided.scatter [tilespmem:s25], [sflag:$0x4], $0x400, s17, s16, $0x38;
	[tilespmem:$0x1C000] =	vst v63  }
0x43: {  	s30 =	simm.s32 $0xF800;
	s31 =	sadd.s32 $0x60, s7;
	s24 =	simm.s32 $0x10000  }
0x44: {  	[hbm4b:s29+s16] =	stream.strided.scatter [tilespmem:s28], [sflag:$0x4], $0x400, s17, s16, $0x38;
	[tilespmem:$0x1C000] =	vst v63  }
0x45: {  	s23 =	sadd.s32 $0x400, s7;
	s25 =	simm.s32 $0xFC00;
	s26 =	sadd.s32 $0x70, s7  }
0x46: {  	[hbm4b:s31+s16] =	stream.strided.scatter [tilespmem:s30], [sflag:$0x4], $0x400, s17, s16, $0x38;
	[tilespmem:$0x1C000] =	vst v63  }
.LBB2_4:
0x47: {  	[hbm4b:s26+s16] =	stream.strided.scatter [tilespmem:s25], [sflag:$0x4], $0x400, s17, s16, $0x38;
	[tilespmem:$0x1C000] =	vst v63  }
0x48: {  	s25 =	smov.u32 s22;
	s22 =	smov.u32 s24  }
0x49: {  	s28 =	sadd.s32 $0x8000, s24;
	s22 =	sshra.s32 s22, $0x2;
	s26 =	sadd.s32 $0xE000, s25  }
0x4a: {  	[hbm4b:s23+s16] =	stream.strided.scatter [tilespmem:s26], [sflag:$0x4], $0x400, s17, s16, $0x38;
	[tilespmem:$0x1C000] =	vst v63  }
0x4b: {  	p0 =	sne.s32 s24, $0x30000;
	s24 =	sadd.s32 $0xE400, s25;
	s26 =	sadd.s32 $0x10, s23  }
0x4c: {  	[hbm4b:s26+s16] =	stream.strided.scatter [tilespmem:s24], [sflag:$0x4], $0x400, s17, s16, $0x38;
	[tilespmem:$0x1C000] =	vst v63  }
0x4d: {  	s24 =	sadd.s32 $0xE800, s25;
	s26 =	sadd.s32 $0x20, s23  }
0x4e: {  	[hbm4b:s26+s16] =	stream.strided.scatter [tilespmem:s24], [sflag:$0x4], $0x400, s17, s16, $0x38;
	[tilespmem:$0x1C000] =	vst v63  }
0x4f: {  	s24 =	sadd.s32 $0xEC00, s25;
	s26 =	sadd.s32 $0x30, s23  }
0x50: {  	[hbm4b:s26+s16] =	stream.strided.scatter [tilespmem:s24], [sflag:$0x4], $0x400, s17, s16, $0x38;
	[tilespmem:$0x1C000] =	vst v63  }
0x51: {  	s24 =	sadd.s32 $0xF000, s25;
	s26 =	sadd.s32 $0x40, s23  }
0x52: {  	[hbm4b:s26+s16] =	stream.strided.scatter [tilespmem:s24], [sflag:$0x4], $0x400, s17, s16, $0x38;
	[tilespmem:$0x1C000] =	vst v63  }
.Ltmp1:
0x53: {  	s24 =	sadd.s32 $0xF400, s25;
	s26 =	sadd.s32 $0x50, s23;
	(pc) =	sbr.rel @p0 .LBB2_4-.Ltmp1, $4  }
0x54: {  	[hbm4b:s26+s16] =	stream.strided.scatter [tilespmem:s24], [sflag:$0x4], $0x400, s17, s16, $0x38;
	[tilespmem:$0x1C000] =	vst v63  }
0x55: {  	s24 =	sadd.s32 $0xF800, s25;
	s26 =	sadd.s32 $0x60, s23;
	s25 =	sadd.s32 $0xFC00, s25  }
0x56: {  	[hbm4b:s26+s16] =	stream.strided.scatter [tilespmem:s24], [sflag:$0x4], $0x400, s17, s16, $0x38;
	[tilespmem:$0x1C000] =	vst v63  }
0x57: {  	s26 =	sadd.s32 $0x70, s23;
	s23 =	sadd.s32 $0x400, s23;
	s24 =	smov.u32 s28  }
0x58: {  	[hbm4b:s26+s16] =	stream.strided.scatter [tilespmem:s25], [sflag:$0x4], $0x400, s17, s16, $0x38;
	[tilespmem:$0x1C000] =	vst v63  }
0x59: {  	s24 =	sadd.s32 $0xE000, s22  }
0x5a: {  	[hbm4b:s23+s16] =	stream.strided.scatter [tilespmem:s24], [sflag:$0x4], $0x400, s17, s16, $0x38;
	[tilespmem:$0x1C000] =	vst v63  }
0x5b: {  	s30 =	sadd.s32 $0xE400, s22;
	s31 =	sadd.s32 $0x10, s23  }
0x5c: {  	[hbm4b:s31+s16] =	stream.strided.scatter [tilespmem:s30], [sflag:$0x4], $0x400, s17, s16, $0x38;
	[tilespmem:$0x1C000] =	vst v63  }
0x5d: {  	s25 =	sadd.s32 $0xE800, s22;
	s26 =	sadd.s32 $0x20, s23  }
0x5e: {  	[hbm4b:s26+s16] =	stream.strided.scatter [tilespmem:s25], [sflag:$0x4], $0x400, s17, s16, $0x38;
	[tilespmem:$0x1C000] =	vst v63  }
0x5f: {  	s28 =	sadd.s32 $0xEC00, s22;
	s29 =	sadd.s32 $0x30, s23  }
0x60: {  	[hbm4b:s29+s16] =	stream.strided.scatter [tilespmem:s28], [sflag:$0x4], $0x400, s17, s16, $0x38;
	[tilespmem:$0x1C000] =	vst v63  }
0x61: {  	s30 =	sadd.s32 $0xF000, s22;
	s31 =	sadd.s32 $0x40, s23  }
0x62: {  	[hbm4b:s31+s16] =	stream.strided.scatter [tilespmem:s30], [sflag:$0x4], $0x400, s17, s16, $0x38;
	[tilespmem:$0x1C000] =	vst v63  }
0x63: {  	s26 =	sadd.s32 $0xF400, s22;
	s28 =	sadd.s32 $0x50, s23  }
0x64: {  	[hbm4b:s28+s16] =	stream.strided.scatter [tilespmem:s26], [sflag:$0x4], $0x400, s17, s16, $0x38;
	[tilespmem:$0x1C000] =	vst v63  }
0x65: {  	s29 =	sadd.s32 $0xF800, s22;
	s30 =	sadd.s32 $0x60, s23  }
0x66: {  	[hbm4b:s30+s16] =	stream.strided.scatter [tilespmem:s29], [sflag:$0x4], $0x400, s17, s16, $0x38;
	[tilespmem:$0x1C000] =	vst v63  }
0x67: {  	s24 =	sadd.s32 $0x70, s23;
	s31 =	sadd.s32 $0xFC00, s22  }
0x68: {  	[hbm4b:s24+s16] =	stream.strided.scatter [tilespmem:s31], [sflag:$0x4], $0x400, s17, s16, $0x38;
	[tilespmem:$0x1C000] =	vst v63  }
0x69: {  	_ =	swait.ge [sflag:s20], $0xE000  }
0x6a: {  	[sflag:s20] =	ssyncset.done $0x0  }
0x6b: {  	s25 =	simm.s32 $0x0;
	[sflag:s20] =	ssyncadd.s32 $0xFFFF2000  }
0x6c: {  	[tilespmem:s14], [sflag:$0x2] =	stream.linear.gather [hbm4b:s8+s25], $0xE000, $0x38;
	[tilespmem:$0x1C000] =	vst v63  }
0x6d: {  	_ =	swait.ge [sflag:s15], $0xE000  }
0x6e: {  	[sflag:s15] =	ssyncset.done $0x0  }
0x6f: {  	s26 =	simm.s32 $0x0;
	[sflag:s15] =	ssyncadd.s32 $0xFFFF2000  }
0x70: {  	[hbm4b:s9+s16] =	stream.strided.scatter [tilespmem:s26], [sflag:$0x3], $0x400, s17, s16, $0x38;
	[tilespmem:$0x1C000] =	vst v63  }
0x71: {  	s28 =	simm.s32 $0x400;
	s29 =	sadd.s32 $0x10, s9  }
0x72: {  	[hbm4b:s29+s16] =	stream.strided.scatter [tilespmem:s28], [sflag:$0x3], $0x400, s17, s16, $0x38;
	[tilespmem:$0x1C000] =	vst v63  }
0x73: {  	s30 =	simm.s32 $0x800;
	s31 =	sadd.s32 $0x20, s9  }
0x74: {  	[hbm4b:s31+s16] =	stream.strided.scatter [tilespmem:s30], [sflag:$0x3], $0x400, s17, s16, $0x38;
	[tilespmem:$0x1C000] =	vst v63  }
0x75: {  	s23 =	simm.s32 $0xC00;
	s22 =	simm.s32 $0x8000;
	s24 =	sadd.s32 $0x30, s9  }
0x76: {  	[hbm4b:s24+s16] =	stream.strided.scatter [tilespmem:s23], [sflag:$0x3], $0x400, s17, s16, $0x38;
	[tilespmem:$0x1C000] =	vst v63  }
0x77: {  	s25 =	simm.s32 $0x1000;
	s26 =	sadd.s32 $0x40, s9;
	s28 =	simm.s32 $0x1400  }
0x78: {  	[hbm4b:s26+s16] =	stream.strided.scatter [tilespmem:s25], [sflag:$0x3], $0x400, s17, s16, $0x38;
	[tilespmem:$0x1C000] =	vst v63  }
0x79: {  	s29 =	sadd.s32 $0x50, s9;
	s30 =	simm.s32 $0x1800;
	s31 =	sadd.s32 $0x60, s9  }
0x7a: {  	[hbm4b:s29+s16] =	stream.strided.scatter [tilespmem:s28], [sflag:$0x3], $0x400, s17, s16, $0x38;
	[tilespmem:$0x1C000] =	vst v63  }
0x7b: {  	s24 =	simm.s32 $0x1C00;
	s23 =	sadd.s32 $0x400, s9;
	s25 =	sadd.s32 $0x70, s9  }
0x7c: {  	[hbm4b:s31+s16] =	stream.strided.scatter [tilespmem:s30], [sflag:$0x3], $0x400, s17, s16, $0x38;
	[tilespmem:$0x1C000] =	vst v63  }
.LBB2_6:
0x7d: {  	[hbm4b:s25+s16] =	stream.strided.scatter [tilespmem:s24], [sflag:$0x3], $0x400, s17, s16, $0x38;
	[tilespmem:$0x1C000] =	vst v63  }
0x7e: {  	s24 =	sshra.s32 s22, $0x2;
	p0 =	sne.s32 s22, $0x30000;
	s22 =	sadd.s32 $0x8000, s22  }
0x7f: {  	[hbm4b:s23+s16] =	stream.strided.scatter [tilespmem:s24], [sflag:$0x3], $0x400, s17, s16, $0x38;
	[tilespmem:$0x1C000] =	vst v63  }
0x80: {  	s26 =	sadd.s32 $0x10, s23;
	s25 =	sadd.s32 $0x400, s24  }
0x81: {  	[hbm4b:s26+s16] =	stream.strided.scatter [tilespmem:s25], [sflag:$0x3], $0x400, s17, s16, $0x38;
	[tilespmem:$0x1C000] =	vst v63  }
0x82: {  	s25 =	sadd.s32 $0x800, s24;
	s26 =	sadd.s32 $0x20, s23  }
0x83: {  	[hbm4b:s26+s16] =	stream.strided.scatter [tilespmem:s25], [sflag:$0x3], $0x400, s17, s16, $0x38;
	[tilespmem:$0x1C000] =	vst v63  }
0x84: {  	s25 =	sadd.s32 $0xC00, s24;
	s26 =	sadd.s32 $0x30, s23  }
0x85: {  	[hbm4b:s26+s16] =	stream.strided.scatter [tilespmem:s25], [sflag:$0x3], $0x400, s17, s16, $0x38;
	[tilespmem:$0x1C000] =	vst v63  }
0x86: {  	s25 =	sadd.s32 $0x1000, s24;
	s26 =	sadd.s32 $0x40, s23  }
0x87: {  	[hbm4b:s26+s16] =	stream.strided.scatter [tilespmem:s25], [sflag:$0x3], $0x400, s17, s16, $0x38;
	[tilespmem:$0x1C000] =	vst v63  }
.Ltmp2:
0x88: {  	s25 =	sadd.s32 $0x1400, s24;
	s26 =	sadd.s32 $0x50, s23;
	(pc) =	sbr.rel @p0 .LBB2_6-.Ltmp2, $4  }
0x89: {  	[hbm4b:s26+s16] =	stream.strided.scatter [tilespmem:s25], [sflag:$0x3], $0x400, s17, s16, $0x38;
	[tilespmem:$0x1C000] =	vst v63  }
0x8a: {  	s25 =	sadd.s32 $0x1800, s24;
	s26 =	sadd.s32 $0x60, s23  }
0x8b: {  	[hbm4b:s26+s16] =	stream.strided.scatter [tilespmem:s25], [sflag:$0x3], $0x400, s17, s16, $0x38;
	[tilespmem:$0x1C000] =	vst v63  }
0x8c: {  	s24 =	sadd.s32 $0x1C00, s24;
	s25 =	sadd.s32 $0x70, s23;
	s23 =	sadd.s32 $0x400, s23  }
0x8d: {  	[hbm4b:s25+s16] =	stream.strided.scatter [tilespmem:s24], [sflag:$0x3], $0x400, s17, s16, $0x38;
	[tilespmem:$0x1C000] =	vst v63  }
0x8e: {  	_ =	swait.ge [sflag:s18], $0xE000  }
0x8f: {  	[sflag:s18] =	ssyncset.done $0x0  }
0x90: {  	s22 =	simm.s32 $0x0;
	[sflag:s18] =	ssyncadd.s32 $0xFFFF2000  }
0x91: {  	[tilespmem:s22], [sflag:$0x1] =	stream.linear.gather [hbm4b:s10+s22], $0x8000, $0x38;
	[tilespmem:$0x1C000] =	vst v63  }
0x92: {  	_ =	swait.ge [sflag:s19], $0xE000  }
0x93: {  	[sflag:s19] =	ssyncset.done $0x0  }
0x94: {  	s28 =	simm.s32 $0xE000;
	[sflag:s19] =	ssyncadd.s32 $0xFFFF2000  }
0x95: {  	[hbm4b:s11+s16] =	stream.strided.scatter [tilespmem:s28], [sflag:$0x4], $0x400, s17, s16, $0x38;
	[tilespmem:$0x1C000] =	vst v63  }
0x96: {  	s29 =	simm.s32 $0xE400;
	s23 =	sadd.s32 $0x10, s11  }
0x97: {  	[hbm4b:s23+s16] =	stream.strided.scatter [tilespmem:s29], [sflag:$0x4], $0x400, s17, s16, $0x38;
	[tilespmem:$0x1C000] =	vst v63  }
0x98: {  	s30 =	simm.s32 $0xE800;
	s31 =	sadd.s32 $0x20, s11;
	s24 =	sadd.s32 $0x30, s11  }
0x99: {  	[hbm4b:s31+s16] =	stream.strided.scatter [tilespmem:s30], [sflag:$0x4], $0x400, s17, s16, $0x38;
	[tilespmem:$0x1C000] =	vst v63  }
0x9a: {  	s25 =	simm.s32 $0xF000;
	s26 =	sadd.s32 $0x40, s11;
	s23 =	simm.s32 $0xEC00  }
0x9b: {  	[hbm4b:s24+s16] =	stream.strided.scatter [tilespmem:s23], [sflag:$0x4], $0x400, s17, s16, $0x38;
	[tilespmem:$0x1C000] =	vst v63  }
0x9c: {  	s22 =	simm.s32 $0x2000;
	s28 =	simm.s32 $0xF400;
	s29 =	sadd.s32 $0x50, s11  }
0x9d: {  	[hbm4b:s26+s16] =	stream.strided.scatter [tilespmem:s25], [sflag:$0x4], $0x400, s17, s16, $0x38;
	[tilespmem:$0x1C000] =	vst v63  }
0x9e: {  	s30 =	simm.s32 $0xF800;
	s31 =	sadd.s32 $0x60, s11;
	s24 =	simm.s32 $0x10000  }
0x9f: {  	[hbm4b:s29+s16] =	stream.strided.scatter [tilespmem:s28], [sflag:$0x4], $0x400, s17, s16, $0x38;
	[tilespmem:$0x1C000] =	vst v63  }
0xa0: {  	s23 =	sadd.s32 $0x400, s11;
	s25 =	simm.s32 $0xFC00;
	s26 =	sadd.s32 $0x70, s11  }
0xa1: {  	[hbm4b:s31+s16] =	stream.strided.scatter [tilespmem:s30], [sflag:$0x4], $0x400, s17, s16, $0x38;
	[tilespmem:$0x1C000] =	vst v63  }
.LBB2_8:
0xa2: {  	[hbm4b:s26+s16] =	stream.strided.scatter [tilespmem:s25], [sflag:$0x4], $0x400, s17, s16, $0x38;
	[tilespmem:$0x1C000] =	vst v63  }
0xa3: {  	s25 =	smov.u32 s22;
	s22 =	smov.u32 s24  }
0xa4: {  	s28 =	sadd.s32 $0x8000, s24;
	s22 =	sshra.s32 s22, $0x2;
	s26 =	sadd.s32 $0xE000, s25  }
0xa5: {  	[hbm4b:s23+s16] =	stream.strided.scatter [tilespmem:s26], [sflag:$0x4], $0x400, s17, s16, $0x38;
	[tilespmem:$0x1C000] =	vst v63  }
0xa6: {  	p0 =	sne.s32 s24, $0x30000;
	s24 =	sadd.s32 $0xE400, s25;
	s26 =	sadd.s32 $0x10, s23  }
0xa7: {  	[hbm4b:s26+s16] =	stream.strided.scatter [tilespmem:s24], [sflag:$0x4], $0x400, s17, s16, $0x38;
	[tilespmem:$0x1C000] =	vst v63  }
0xa8: {  	s24 =	sadd.s32 $0xE800, s25;
	s26 =	sadd.s32 $0x20, s23  }
0xa9: {  	[hbm4b:s26+s16] =	stream.strided.scatter [tilespmem:s24], [sflag:$0x4], $0x400, s17, s16, $0x38;
	[tilespmem:$0x1C000] =	vst v63  }
0xaa: {  	s24 =	sadd.s32 $0xEC00, s25;
	s26 =	sadd.s32 $0x30, s23  }
0xab: {  	[hbm4b:s26+s16] =	stream.strided.scatter [tilespmem:s24], [sflag:$0x4], $0x400, s17, s16, $0x38;
	[tilespmem:$0x1C000] =	vst v63  }
0xac: {  	s24 =	sadd.s32 $0xF000, s25;
	s26 =	sadd.s32 $0x40, s23  }
0xad: {  	[hbm4b:s26+s16] =	stream.strided.scatter [tilespmem:s24], [sflag:$0x4], $0x400, s17, s16, $0x38;
	[tilespmem:$0x1C000] =	vst v63  }
.Ltmp3:
0xae: {  	s24 =	sadd.s32 $0xF400, s25;
	s26 =	sadd.s32 $0x50, s23;
	(pc) =	sbr.rel @p0 .LBB2_8-.Ltmp3, $4  }
0xaf: {  	[hbm4b:s26+s16] =	stream.strided.scatter [tilespmem:s24], [sflag:$0x4], $0x400, s17, s16, $0x38;
	[tilespmem:$0x1C000] =	vst v63  }
0xb0: {  	s24 =	sadd.s32 $0xF800, s25;
	s26 =	sadd.s32 $0x60, s23;
	s25 =	sadd.s32 $0xFC00, s25  }
0xb1: {  	[hbm4b:s26+s16] =	stream.strided.scatter [tilespmem:s24], [sflag:$0x4], $0x400, s17, s16, $0x38;
	[tilespmem:$0x1C000] =	vst v63  }
0xb2: {  	s26 =	sadd.s32 $0x70, s23;
	s23 =	sadd.s32 $0x400, s23;
	s24 =	smov.u32 s28  }
0xb3: {  	[hbm4b:s26+s16] =	stream.strided.scatter [tilespmem:s25], [sflag:$0x4], $0x400, s17, s16, $0x38;
	[tilespmem:$0x1C000] =	vst v63  }
0xb4: {  	s24 =	sadd.s32 $0xE000, s22  }
0xb5: {  	[hbm4b:s23+s16] =	stream.strided.scatter [tilespmem:s24], [sflag:$0x4], $0x400, s17, s16, $0x38;
	[tilespmem:$0x1C000] =	vst v63  }
0xb6: {  	s25 =	sadd.s32 $0xE400, s22;
	s26 =	sadd.s32 $0x10, s23  }
0xb7: {  	[hbm4b:s26+s16] =	stream.strided.scatter [tilespmem:s25], [sflag:$0x4], $0x400, s17, s16, $0x38;
	[tilespmem:$0x1C000] =	vst v63  }
0xb8: {  	s28 =	sadd.s32 $0xE800, s22;
	s29 =	sadd.s32 $0x20, s23  }
0xb9: {  	[hbm4b:s29+s16] =	stream.strided.scatter [tilespmem:s28], [sflag:$0x4], $0x400, s17, s16, $0x38;
	[tilespmem:$0x1C000] =	vst v63  }
0xba: {  	s30 =	sadd.s32 $0xEC00, s22;
	s31 =	sadd.s32 $0x30, s23  }
0xbb: {  	[hbm4b:s31+s16] =	stream.strided.scatter [tilespmem:s30], [sflag:$0x4], $0x400, s17, s16, $0x38;
	[tilespmem:$0x1C000] =	vst v63  }
0xbc: {  	s25 =	sadd.s32 $0xF000, s22;
	s26 =	sadd.s32 $0x40, s23  }
0xbd: {  	[hbm4b:s26+s16] =	stream.strided.scatter [tilespmem:s25], [sflag:$0x4], $0x400, s17, s16, $0x38;
	[tilespmem:$0x1C000] =	vst v63  }
0xbe: {  	s28 =	sadd.s32 $0xF400, s22;
	s29 =	sadd.s32 $0x50, s23  }
0xbf: {  	[hbm4b:s29+s16] =	stream.strided.scatter [tilespmem:s28], [sflag:$0x4], $0x400, s17, s16, $0x38;
	[tilespmem:$0x1C000] =	vst v63  }
0xc0: {  	s30 =	sadd.s32 $0xF800, s22;
	s31 =	sadd.s32 $0x60, s23  }
0xc1: {  	[hbm4b:s31+s16] =	stream.strided.scatter [tilespmem:s30], [sflag:$0x4], $0x400, s17, s16, $0x38;
	[tilespmem:$0x1C000] =	vst v63  }
0xc2: {  	s24 =	sadd.s32 $0xFC00, s22;
	s25 =	sadd.s32 $0x70, s23  }
0xc3: {  	[hbm4b:s25+s16] =	stream.strided.scatter [tilespmem:s24], [sflag:$0x4], $0x400, s17, s16, $0x38;
	[tilespmem:$0x1C000] =	vst v63  }
0xc4: {  	_ =	swait.ge [sflag:s15], $0x8000  }
0xc5: {  	[sflag:s15] =	ssyncset.done $0x0  }
0xc6: {  	s26 =	simm.s32 $0x0;
	[sflag:s15] =	ssyncadd.s32 $0xFFFF8000  }
0xc7: {  	[hbm4b:s12+s16] =	stream.strided.scatter [tilespmem:s26], [sflag:$0x3], $0x400, s17, s16, $0x38;
	[tilespmem:$0x1C000] =	vst v63  }
0xc8: {  	s28 =	simm.s32 $0x400;
	s29 =	sadd.s32 $0x10, s12  }
0xc9: {  	[hbm4b:s29+s16] =	stream.strided.scatter [tilespmem:s28], [sflag:$0x3], $0x400, s17, s16, $0x38;
	[tilespmem:$0x1C000] =	vst v63  }
0xca: {  	s30 =	simm.s32 $0x800;
	s31 =	sadd.s32 $0x20, s12  }
0xcb: {  	[hbm4b:s31+s16] =	stream.strided.scatter [tilespmem:s30], [sflag:$0x3], $0x400, s17, s16, $0x38;
	[tilespmem:$0x1C000] =	vst v63  }
0xcc: {  	s22 =	simm.s32 $0x8000;
	s23 =	simm.s32 $0xC00;
	s24 =	sadd.s32 $0x30, s12  }
0xcd: {  	[hbm4b:s24+s16] =	stream.strided.scatter [tilespmem:s23], [sflag:$0x3], $0x400, s17, s16, $0x38;
	[tilespmem:$0x1C000] =	vst v63  }
0xce: {  	s25 =	simm.s32 $0x1000;
	s26 =	sadd.s32 $0x40, s12;
	s28 =	simm.s32 $0x1400  }
0xcf: {  	[hbm4b:s26+s16] =	stream.strided.scatter [tilespmem:s25], [sflag:$0x3], $0x400, s17, s16, $0x38;
	[tilespmem:$0x1C000] =	vst v63  }
0xd0: {  	s29 =	sadd.s32 $0x50, s12;
	s30 =	simm.s32 $0x1800;
	s31 =	sadd.s32 $0x60, s12  }
0xd1: {  	[hbm4b:s29+s16] =	stream.strided.scatter [tilespmem:s28], [sflag:$0x3], $0x400, s17, s16, $0x38;
	[tilespmem:$0x1C000] =	vst v63  }
0xd2: {  	s24 =	simm.s32 $0x1C00;
	s23 =	sadd.s32 $0x400, s12;
	s25 =	sadd.s32 $0x70, s12  }
0xd3: {  	[hbm4b:s31+s16] =	stream.strided.scatter [tilespmem:s30], [sflag:$0x3], $0x400, s17, s16, $0x38;
	[tilespmem:$0x1C000] =	vst v63  }
.LBB2_10:
0xd4: {  	[hbm4b:s25+s16] =	stream.strided.scatter [tilespmem:s24], [sflag:$0x3], $0x400, s17, s16, $0x38;
	[tilespmem:$0x1C000] =	vst v63  }
0xd5: {  	s24 =	sshra.s32 s22, $0x2;
	p0 =	sne.s32 s22, $0x18000;
	s22 =	sadd.s32 $0x8000, s22  }
0xd6: {  	[hbm4b:s23+s16] =	stream.strided.scatter [tilespmem:s24], [sflag:$0x3], $0x400, s17, s16, $0x38;
	[tilespmem:$0x1C000] =	vst v63  }
0xd7: {  	s26 =	sadd.s32 $0x10, s23;
	s25 =	sadd.s32 $0x400, s24  }
0xd8: {  	[hbm4b:s26+s16] =	stream.strided.scatter [tilespmem:s25], [sflag:$0x3], $0x400, s17, s16, $0x38;
	[tilespmem:$0x1C000] =	vst v63  }
0xd9: {  	s25 =	sadd.s32 $0x800, s24;
	s26 =	sadd.s32 $0x20, s23  }
0xda: {  	[hbm4b:s26+s16] =	stream.strided.scatter [tilespmem:s25], [sflag:$0x3], $0x400, s17, s16, $0x38;
	[tilespmem:$0x1C000] =	vst v63  }
0xdb: {  	s25 =	sadd.s32 $0xC00, s24;
	s26 =	sadd.s32 $0x30, s23  }
0xdc: {  	[hbm4b:s26+s16] =	stream.strided.scatter [tilespmem:s25], [sflag:$0x3], $0x400, s17, s16, $0x38;
	[tilespmem:$0x1C000] =	vst v63  }
0xdd: {  	s25 =	sadd.s32 $0x1000, s24;
	s26 =	sadd.s32 $0x40, s23  }
0xde: {  	[hbm4b:s26+s16] =	stream.strided.scatter [tilespmem:s25], [sflag:$0x3], $0x400, s17, s16, $0x38;
	[tilespmem:$0x1C000] =	vst v63  }
.Ltmp4:
0xdf: {  	s25 =	sadd.s32 $0x1400, s24;
	s26 =	sadd.s32 $0x50, s23;
	(pc) =	sbr.rel @p0 .LBB2_10-.Ltmp4, $4  }
0xe0: {  	[hbm4b:s26+s16] =	stream.strided.scatter [tilespmem:s25], [sflag:$0x3], $0x400, s17, s16, $0x38;
	[tilespmem:$0x1C000] =	vst v63  }
0xe1: {  	s25 =	sadd.s32 $0x1800, s24;
	s26 =	sadd.s32 $0x60, s23  }
0xe2: {  	[hbm4b:s26+s16] =	stream.strided.scatter [tilespmem:s25], [sflag:$0x3], $0x400, s17, s16, $0x38;
	[tilespmem:$0x1C000] =	vst v63  }
0xe3: {  	s24 =	sadd.s32 $0x1C00, s24;
	s25 =	sadd.s32 $0x70, s23;
	s23 =	sadd.s32 $0x400, s23  }
0xe4: {  	[hbm4b:s25+s16] =	stream.strided.scatter [tilespmem:s24], [sflag:$0x3], $0x400, s17, s16, $0x38;
	[tilespmem:$0x1C000] =	vst v63  }
0xe5: {  	s21 =	sadd.s32 $0x1, s21  }
0xe6: {  	_ =	swait.ge [sflag:s20], $0xE000;
	p0 =	sne.s32 s21, s13  }
.Ltmp5:
0xe7: {  	[sflag:s20] =	ssyncset.done $0x0;
	(pc) =	sbr.rel @p0 .LBB2_1-.Ltmp5, $4  }
0xe8: {  	[sflag:s20] =	ssyncadd.s32 $0xFFFF2000  }
0xe9: {  	_ =	swait.ge [sflag:s18], $0x8000  }
0xea: {  	[sflag:s18] =	ssyncset.done $0x0  }
0xeb: {  	[sflag:s18] =	ssyncadd.s32 $0xFFFF8000  }
0xec: {  	_ =	sfence.sel $0x180000  }
0xed: {  	[bflag:$0x0] =	sbarrier.arrive $0xFFFF  }
0xee: {  	p0 =	sne.s32 s1, $0x0;
	_ =	strace $0x90000047  }
0xef: {  	s0 =	sadd.s32 @!p0 $0x100000, s0;
	[bflag:$0x2] =	sbarrier.arrive $0xFFFF  }
0xf0: {  	[sflag:s0] =	ssyncadd.tile.s32 @!p0 $0x1;
	_ =	shalt  }
.Lfunc_end2:
_tile_overlayer_lowered:
.L_overlay_start_2:
0xf1: {  	(tag) =	ssettag $0x2  }
0xf2: {  	s0 =	rddreg [dreg:$0x0];
	s2 =	stileid.u32  }
0xf3: {  	s1 =	rddreg [dreg:$0x1];
	p0 =	sne.s32 s2, $0x0  }
0xf4: {  	s3 =	rddreg [dreg:$0x2];
	[bflag:$0x3] =	sbarrier.arrive $0xFFFF;
	s2 =	simm.s32 @!p0 $0x1C05  }
0xf5: {  	[timem:s3], [sflag:s2] =	dma.local @!p0 [hbm:s0], s1  }
0xf6: {  	s0 =	simm.s32 @!p0 $0x5  }
0xf7: {  	_ =	swait.ge @!p0 [sflag:s0], s1  }
0xf8: {  	s1 =	ssub.s32 @!p0 $0x0, s1;
	[sflag:s0] =	ssyncset.done @!p0 $0x0  }
0xf9: {  	[sflag:s0] =	ssyncadd.s32 @!p0 s1  }
0xfa: {  	[bflag:$0x3] =	sbarrier.arrive $0xFFFF  }
0xfb: {  	_ =	shalt  }

</sc_bundles>
